<compile_context>
chip_gen: v7x
topology: tpu7x:2x2x1
jax: 0.10.2.dev20260603
libtpu: 0.0.44.dev20260713+nightly
codegen_flags: <defaults>
</compile_context>

<pallas_src>
import functools

import jax
import jax.numpy as jnp
from jax import lax
from jax.experimental import pallas as pl
from jax.experimental.pallas import tpu as pltpu
from jax.experimental.pallas import tpu_sc as plsc

_NC = 2
_NS = 16
_NW = _NC * _NS
_LANES = 16
_NBUF = 4
_AHEAD = 2


def _sc_add(B, L, D):
    rows_per_w = L // _NW
    sub = 8
    n_sub = rows_per_w // sub
    n_steps = B * n_sub
    n_groups = n_steps // _NBUF
    cgroups = D // _LANES
    mesh = plsc.VectorSubcoreMesh(core_axis_name="c", subcore_axis_name="s")

    @functools.partial(
        pl.kernel,
        mesh=mesh,
        out_type=jax.ShapeDtypeStruct((B * L, D), jnp.float32),
        scratch_types=[
            pltpu.VMEM((rows_per_w, D), jnp.float32),
            [pltpu.VMEM((sub, D), jnp.float32) for _ in range(_NBUF)],
            pltpu.SemaphoreType.DMA,
            [pltpu.SemaphoreType.DMA for _ in range(_NBUF)],
            [pltpu.SemaphoreType.DMA for _ in range(_NBUF)],
        ],
    )
    def k(x_hbm, t_hbm, o_hbm, tch, bufs, sem_t, sems_in, sems_out):
        wid = lax.axis_index("s") * _NC + lax.axis_index("c")
        l0 = wid * rows_per_w

        def hbm_row(i):
            b = i // n_sub
            s = i % n_sub
            return b * L + l0 + s * sub

        def issue_in(t, slot):
            return pltpu.async_copy(
                x_hbm.at[pl.ds(hbm_row(t), sub)], bufs[slot], sems_in[slot]
            )

        def wait_in(slot):
            pltpu.make_async_copy(
                x_hbm.at[pl.ds(0, sub)], bufs[slot], sems_in[slot]
            ).wait()

        def wait_out(slot):
            pltpu.make_async_copy(
                bufs[slot], o_hbm.at[pl.ds(0, sub)], sems_out[slot]
            ).wait()

        t_dma = pltpu.async_copy(t_hbm.at[pl.ds(l0, rows_per_w)], tch, sem_t)
        for j in range(_AHEAD):
            issue_in(j, j)
        t_dma.wait()

        def group(g, carry):
            for b in range(_NBUF):
                i = g * _NBUF + b
                slot_next = (b + _AHEAD) % _NBUF

                @pl.when(i < n_steps - _AHEAD)
                def _():
                    @pl.when(i >= _NBUF - _AHEAD)
                    def _():
                        wait_out(slot_next)

                    issue_in(i + _AHEAD, slot_next)

                wait_in(b)
                xb = bufs[b]
                trow0 = (i % n_sub) * sub

                def add_body(j, xb=xb, trow0=trow0):
                    r = j // cgroups
                    c = (j % cgroups) * _LANES
                    plsc.addupdate(
                        xb.at[r, pl.ds(c, _LANES)],
                        tch[trow0 + r, pl.ds(c, _LANES)],
                    )

                plsc.parallel_loop(0, sub * cgroups, unroll=8)(add_body)
                pltpu.async_copy(
                    xb, o_hbm.at[pl.ds(hbm_row(i), sub)], sems_out[b]
                )
            return carry

        lax.fori_loop(0, n_groups, group, 0)
        for b in range(_NBUF):
            wait_out(b)

    return k


def kernel(x, table):
    B, L, D = x.shape
    sc = _sc_add(B, L, D)
    out = sc(x.reshape(B * L, D), table)
    return out.reshape(B, L, D)

# --- scband reference (transcript-rebuilt; emitter-appended) ---
"""Pipeline reference for scband-positional-encoding-14173392077128 (READ-ONLY COPY).

The authoritative reference and input builder live on the scoring server;
editing this copy changes nothing except your own understanding.
"""

import jax, jax.numpy as jnp
import numpy as np


def setup_inputs(seed: int = 0) -> dict:
    key = jax.random.key(seed)
    k1, k2 = jax.random.split(key)
    x = jax.random.normal(k1, (4, 2048, 1024), dtype=jnp.float32)
    # learned positional embedding table: nn.Embedding(max_len=2048, embedding_dim=1024)
    table = jax.random.normal(k2, (2048, 1024), dtype=jnp.float32)
    return {"x": x, "table": table}


def reference(x, table):
    # positions = arange(0, x.shape[1]); embedding(positions) + x
    positions = jnp.arange(0, x.shape[1], dtype=jnp.int32)
    pos_emb = jnp.take(table, positions, axis=0)  # [L, D]
    return pos_emb[None, :, :] + x  # broadcast over batch -> [B, L, D]

if __name__ == "__main__":
    import jax
    _d = setup_inputs()
    print(jax.jit(kernel)(*tuple(_d.values())))

</pallas_src>

<mosaic_0001>
#map = affine_map<(d0, d1) -> (0, 0)>
module attributes {stable_mosaic.version = 14 : i64} {
  func.func @k(%arg0: i32, %arg1: i32, %arg2: memref<8192x1024xf32, #tpu.memory_space<hbm>>, %arg3: memref<2048x1024xf32, #tpu.memory_space<hbm>>, %arg4: memref<8192x1024xf32, #tpu.memory_space<hbm>>, %arg5: memref<64x1024xf32, #tpu.memory_space<vmem>>, %arg6: memref<8x1024xf32, #tpu.memory_space<vmem>>, %arg7: memref<8x1024xf32, #tpu.memory_space<vmem>>, %arg8: memref<8x1024xf32, #tpu.memory_space<vmem>>, %arg9: memref<8x1024xf32, #tpu.memory_space<vmem>>, %arg10: memref<!tpu.dma_semaphore, #tpu.memory_space<semaphore_mem>>, %arg11: memref<!tpu.dma_semaphore, #tpu.memory_space<semaphore_mem>>, %arg12: memref<!tpu.dma_semaphore, #tpu.memory_space<semaphore_mem>>, %arg13: memref<!tpu.dma_semaphore, #tpu.memory_space<semaphore_mem>>, %arg14: memref<!tpu.dma_semaphore, #tpu.memory_space<semaphore_mem>>, %arg15: memref<!tpu.dma_semaphore, #tpu.memory_space<semaphore_mem>>, %arg16: memref<!tpu.dma_semaphore, #tpu.memory_space<semaphore_mem>>, %arg17: memref<!tpu.dma_semaphore, #tpu.memory_space<semaphore_mem>>, %arg18: memref<!tpu.dma_semaphore, #tpu.memory_space<semaphore_mem>>) attributes {dimension_semantics = [#tpu.dimension_semantics<core_parallel>, #tpu.dimension_semantics<subcore_parallel>], iteration_bounds = array<i64: 2, 16>, scalar_prefetch = 0 : i64, scratch_operands = 14 : i64, tpu.core_type = #tpu.core_type<sc_vector_subcore>, window_params = [{transform_indices = #map}, {transform_indices = #map}, {transform_indices = #map}]} {
    %mul3A = arith.constant 2 : i32
    %mul3A_0 = arith.muli %arg1, %mul3A : i32
    %add3A = arith.addi %mul3A_0, %arg0 : i32
    %mul3A_1 = arith.constant 64 : i32
    %mul3A_2 = arith.muli %add3A, %mul3A_1 : i32
    %dma_start3A = arith.constant 0 : i32
    %dma_start3A_3 = tpu.memref_slice %arg3[%mul3A_2, %dma_start3A] : memref<2048x1024xf32, #tpu.memory_space<hbm>> -> memref<64x1024xf32, #tpu.memory_space<hbm>>
    %dma_start3A_4 = arith.constant 0 : i32
    %dma_start3A_5 = tpu.memref_slice %arg3[%mul3A_2, %dma_start3A_4] : memref<2048x1024xf32, #tpu.memory_space<hbm>> -> memref<64x1024xf32, #tpu.memory_space<hbm>>
    tpu.enqueue_dma source(%dma_start3A_5 : memref<64x1024xf32, #tpu.memory_space<hbm>>) target(%arg5 : memref<64x1024xf32, #tpu.memory_space<vmem>>) target_semaphore(%arg10 : memref<!tpu.dma_semaphore, #tpu.memory_space<semaphore_mem>>)
    %add3A_6 = arith.constant 0 : i32
    %add3A_7 = arith.addi %add3A_6, %mul3A_2 : i32
    %add3A_8 = arith.constant 0 : i32
    %add3A_9 = arith.addi %add3A_7, %add3A_8 : i32
    %dma_start3A_10 = arith.constant 0 : i32
    %dma_start3A_11 = tpu.memref_slice %arg2[%add3A_9, %dma_start3A_10] : memref<8192x1024xf32, #tpu.memory_space<hbm>> -> memref<8x1024xf32, #tpu.memory_space<hbm>>
    %dma_start3A_12 = arith.constant 0 : i32
    %dma_start3A_13 = tpu.memref_slice %arg2[%add3A_9, %dma_start3A_12] : memref<8192x1024xf32, #tpu.memory_space<hbm>> -> memref<8x1024xf32, #tpu.memory_space<hbm>>
    tpu.enqueue_dma source(%dma_start3A_13 : memref<8x1024xf32, #tpu.memory_space<hbm>>) target(%arg6 : memref<8x1024xf32, #tpu.memory_space<vmem>>) target_semaphore(%arg11 : memref<!tpu.dma_semaphore, #tpu.memory_space<semaphore_mem>>)
    %add3A_14 = arith.constant 0 : i32
    %add3A_15 = arith.addi %add3A_14, %mul3A_2 : i32
    %add3A_16 = arith.constant 8 : i32
    %add3A_17 = arith.addi %add3A_15, %add3A_16 : i32
    %dma_start3A_18 = arith.constant 0 : i32
    %dma_start3A_19 = tpu.memref_slice %arg2[%add3A_17, %dma_start3A_18] : memref<8192x1024xf32, #tpu.memory_space<hbm>> -> memref<8x1024xf32, #tpu.memory_space<hbm>>
    %dma_start3A_20 = arith.constant 0 : i32
    %dma_start3A_21 = tpu.memref_slice %arg2[%add3A_17, %dma_start3A_20] : memref<8192x1024xf32, #tpu.memory_space<hbm>> -> memref<8x1024xf32, #tpu.memory_space<hbm>>
    tpu.enqueue_dma source(%dma_start3A_21 : memref<8x1024xf32, #tpu.memory_space<hbm>>) target(%arg7 : memref<8x1024xf32, #tpu.memory_space<vmem>>) target_semaphore(%arg12 : memref<!tpu.dma_semaphore, #tpu.memory_space<semaphore_mem>>)
    %dma_wait3A = arith.constant 0 : i32
    %dma_wait3A_22 = tpu.memref_slice %arg3[%mul3A_2, %dma_wait3A] : memref<2048x1024xf32, #tpu.memory_space<hbm>> -> memref<64x1024xf32, #tpu.memory_space<hbm>>
    %dma_wait3A_23 = arith.constant 0 : i32
    %dma_wait3A_24 = tpu.memref_slice %arg3[%mul3A_2, %dma_wait3A_23] : memref<2048x1024xf32, #tpu.memory_space<hbm>> -> memref<64x1024xf32, #tpu.memory_space<hbm>>
    tpu.wait_dma2 semaphore(%arg10 : memref<!tpu.dma_semaphore, #tpu.memory_space<semaphore_mem>>) src(%dma_wait3A_24 : memref<64x1024xf32, #tpu.memory_space<hbm>>) dst(%arg5 : memref<64x1024xf32, #tpu.memory_space<vmem>>)
    %scan3A = arith.constant 0 : i32
    %scan3A_25 = arith.constant 0 : i32
    %scan3A_26 = arith.constant 8 : i32
    %scan3A_27 = arith.addi %scan3A_25, %scan3A_26 : i32
    %scan3A_28 = arith.constant 1 : i32
    scf.for %scan3A_54 = %scan3A_25 to %scan3A_27 step %scan3A_28  : i32 {
      %mul3A_55 = arith.constant 4 : i32
      %mul3A_56 = arith.muli %scan3A_54, %mul3A_55 : i32
      %add3A_57 = arith.constant 0 : i32
      %add3A_58 = arith.addi %mul3A_56, %add3A_57 : i32
      %lt3A = arith.constant 30 : i32
      %lt3A_59 = arith.cmpi slt, %add3A_58, %lt3A : i32
      %convert_element_type3A = arith.extui %lt3A_59 : i1 to i32
      %cond3A = arith.constant 0 : i32
      %cond3A_60 = arith.cmpi ne, %convert_element_type3A, %cond3A : i32
      scf.if %cond3A_60 {
        %ge3A = arith.constant 2 : i32
        %ge3A_386 = arith.cmpi sge, %add3A_58, %ge3A : i32
        %convert_element_type3A_387 = arith.extui %ge3A_386 : i1 to i32
        %cond3A_388 = arith.constant 0 : i32
        %cond3A_389 = arith.cmpi ne, %convert_element_type3A_387, %cond3A_388 : i32
        scf.if %cond3A_389 {
          %dma_wait3A_442 = arith.constant 0 : i32
          %dma_wait3A_443 = arith.constant 0 : i32
          %dma_wait3A_444 = tpu.memref_slice %arg4[%dma_wait3A_442, %dma_wait3A_443] : memref<8192x1024xf32, #tpu.memory_space<hbm>> -> memref<8x1024xf32, #tpu.memory_space<hbm>>
          %dma_wait3A_445 = arith.constant 0 : i32
          %dma_wait3A_446 = arith.constant 0 : i32
          %dma_wait3A_447 = tpu.memref_slice %arg4[%dma_wait3A_445, %dma_wait3A_446] : memref<8192x1024xf32, #tpu.memory_space<hbm>> -> memref<8x1024xf32, #tpu.memory_space<hbm>>
          tpu.wait_dma2 semaphore(%arg17 : memref<!tpu.dma_semaphore, #tpu.memory_space<semaphore_mem>>) src(%arg8 : memref<8x1024xf32, #tpu.memory_space<vmem>>) dst(%dma_wait3A_447 : memref<8x1024xf32, #tpu.memory_space<hbm>>)
        } else {
        }
        %add3A_390 = arith.constant 2 : i32
        %add3A_391 = arith.addi %add3A_58, %add3A_390 : i32
        %jit3A_392 = arith.constant 8 : i32
        %div3A_393 = arith.divsi %add3A_391, %jit3A_392 : i32
        %sign3A_394 = arith.constant 0 : i32
        %sign3A_395 = arith.cmpi sgt, %add3A_391, %sign3A_394 : i32
        %sign3A_396 = arith.extui %sign3A_395 : i1 to i32
        %sign3A_397 = arith.constant 0 : i32
        %sign3A_398 = arith.cmpi slt, %add3A_391, %sign3A_397 : i32
        %sign3A_399 = arith.extui %sign3A_398 : i1 to i32
        %sign3A_400 = arith.subi %sign3A_396, %sign3A_399 : i32
        %sign3A_401 = arith.constant 0 : i32
        %sign3A_402 = arith.cmpi sgt, %jit3A_392, %sign3A_401 : i32
        %sign3A_403 = arith.extui %sign3A_402 : i1 to i32
        %sign3A_404 = arith.constant 0 : i32
        %sign3A_405 = arith.cmpi slt, %jit3A_392, %sign3A_404 : i32
        %sign3A_406 = arith.extui %sign3A_405 : i1 to i32
        %sign3A_407 = arith.subi %sign3A_403, %sign3A_406 : i32
        %ne3A_408 = arith.cmpi ne, %sign3A_400, %sign3A_407 : i32
        %rem3A_409 = arith.remsi %add3A_391, %jit3A_392 : i32
        %ne3A_410 = arith.constant 0 : i32
        %ne3A_411 = arith.cmpi ne, %rem3A_409, %ne3A_410 : i32
        %and3A_412 = arith.andi %ne3A_408, %ne3A_411 : i1
        %sub3A_413 = arith.constant 1 : i32
        %sub3A_414 = arith.subi %div3A_393, %sub3A_413 : i32
        %select_n3A_415 = arith.select %and3A_412, %sub3A_414, %div3A_393 : i32
        %jit3A_416 = arith.constant 8 : i32
        %eq3A_417 = arith.constant 0 : i32
        %eq3A_418 = arith.cmpi eq, %jit3A_416, %eq3A_417 : i32
        %jit3A_419 = arith.constant 1 : i32
        %select_n3A_420 = arith.select %eq3A_418, %jit3A_419, %jit3A_416 : i32
        %rem3A_421 = arith.remsi %add3A_391, %select_n3A_420 : i32
        %ne3A_422 = arith.constant 0 : i32
        %ne3A_423 = arith.cmpi ne, %rem3A_421, %ne3A_422 : i32
        %lt3A_424 = arith.constant 0 : i32
        %lt3A_425 = arith.cmpi slt, %rem3A_421, %lt3A_424 : i32
        %lt3A_426 = arith.constant 0 : i32
        %lt3A_427 = arith.cmpi slt, %select_n3A_420, %lt3A_426 : i32
        %ne3A_428 = arith.xori %lt3A_425, %lt3A_427 : i1
        %and3A_429 = arith.andi %ne3A_428, %ne3A_423 : i1
        %add3A_430 = arith.addi %rem3A_421, %select_n3A_420 : i32
        %select_n3A_431 = arith.select %and3A_429, %add3A_430, %rem3A_421 : i32
        %mul3A_432 = arith.constant 2048 : i32
        %mul3A_433 = arith.muli %select_n3A_415, %mul3A_432 : i32
        %add3A_434 = arith.addi %mul3A_433, %mul3A_2 : i32
        %mul3A_435 = arith.constant 8 : i32
        %mul3A_436 = arith.muli %select_n3A_431, %mul3A_435 : i32
        %add3A_437 = arith.addi %add3A_434, %mul3A_436 : i32
        %dma_start3A_438 = arith.constant 0 : i32
        %dma_start3A_439 = tpu.memref_slice %arg2[%add3A_437, %dma_start3A_438] : memref<8192x1024xf32, #tpu.memory_space<hbm>> -> memref<8x1024xf32, #tpu.memory_space<hbm>>
        %dma_start3A_440 = arith.constant 0 : i32
        %dma_start3A_441 = tpu.memref_slice %arg2[%add3A_437, %dma_start3A_440] : memref<8192x1024xf32, #tpu.memory_space<hbm>> -> memref<8x1024xf32, #tpu.memory_space<hbm>>
        tpu.enqueue_dma source(%dma_start3A_441 : memref<8x1024xf32, #tpu.memory_space<hbm>>) target(%arg8 : memref<8x1024xf32, #tpu.memory_space<vmem>>) target_semaphore(%arg13 : memref<!tpu.dma_semaphore, #tpu.memory_space<semaphore_mem>>)
      } else {
      }
      %dma_wait3A_61 = arith.constant 0 : i32
      %dma_wait3A_62 = arith.constant 0 : i32
      %dma_wait3A_63 = tpu.memref_slice %arg2[%dma_wait3A_61, %dma_wait3A_62] : memref<8192x1024xf32, #tpu.memory_space<hbm>> -> memref<8x1024xf32, #tpu.memory_space<hbm>>
      %dma_wait3A_64 = arith.constant 0 : i32
      %dma_wait3A_65 = arith.constant 0 : i32
      %dma_wait3A_66 = tpu.memref_slice %arg2[%dma_wait3A_64, %dma_wait3A_65] : memref<8192x1024xf32, #tpu.memory_space<hbm>> -> memref<8x1024xf32, #tpu.memory_space<hbm>>
      tpu.wait_dma2 semaphore(%arg11 : memref<!tpu.dma_semaphore, #tpu.memory_space<semaphore_mem>>) src(%dma_wait3A_66 : memref<8x1024xf32, #tpu.memory_space<hbm>>) dst(%arg6 : memref<8x1024xf32, #tpu.memory_space<vmem>>)
      %jit3A = arith.constant 8 : i32
      %eq3A = arith.constant 0 : i32
      %eq3A_67 = arith.cmpi eq, %jit3A, %eq3A : i32
      %jit3A_68 = arith.constant 1 : i32
      %select_n3A = arith.select %eq3A_67, %jit3A_68, %jit3A : i32
      %rem3A = arith.remsi %add3A_58, %select_n3A : i32
      %ne3A = arith.constant 0 : i32
      %ne3A_69 = arith.cmpi ne, %rem3A, %ne3A : i32
      %lt3A_70 = arith.constant 0 : i32
      %lt3A_71 = arith.cmpi slt, %rem3A, %lt3A_70 : i32
      %lt3A_72 = arith.constant 0 : i32
      %lt3A_73 = arith.cmpi slt, %select_n3A, %lt3A_72 : i32
      %ne3A_74 = arith.xori %lt3A_71, %lt3A_73 : i1
      %and3A = arith.andi %ne3A_74, %ne3A_69 : i1
      %add3A_75 = arith.addi %rem3A, %select_n3A : i32
      %select_n3A_76 = arith.select %and3A, %add3A_75, %rem3A : i32
      %mul3A_77 = arith.constant 8 : i32
      %mul3A_78 = arith.muli %select_n3A_76, %mul3A_77 : i32
      %parallel_loop3A = arith.constant 0 : i32
      %parallel_loop3A_79 = arith.constant 512 : i32
      %parallel_loop3A_80 = arith.constant 1 : i32
      scf.for %parallel_loop3A_386 = %parallel_loop3A to %parallel_loop3A_79 step %parallel_loop3A_80  : i32 {
        %parallel_loop3A_387 = arith.constant 64 : i32
        %parallel_loop3A_388 = arith.divsi %parallel_loop3A_386, %parallel_loop3A_387 : i32
        %parallel_loop3A_389 = arith.constant 0 : i32
        %parallel_loop3A_390 = arith.cmpi sgt, %parallel_loop3A_386, %parallel_loop3A_389 : i32
        %parallel_loop3A_391 = arith.extui %parallel_loop3A_390 : i1 to i32
        %parallel_loop3A_392 = arith.constant 0 : i32
        %parallel_loop3A_393 = arith.cmpi slt, %parallel_loop3A_386, %parallel_loop3A_392 : i32
        %parallel_loop3A_394 = arith.extui %parallel_loop3A_393 : i1 to i32
        %parallel_loop3A_395 = arith.subi %parallel_loop3A_391, %parallel_loop3A_394 : i32
        %parallel_loop3A_396 = arith.constant 0 : i32
        %parallel_loop3A_397 = arith.cmpi sgt, %parallel_loop3A_387, %parallel_loop3A_396 : i32
        %parallel_loop3A_398 = arith.extui %parallel_loop3A_397 : i1 to i32
        %parallel_loop3A_399 = arith.constant 0 : i32
        %parallel_loop3A_400 = arith.cmpi slt, %parallel_loop3A_387, %parallel_loop3A_399 : i32
        %parallel_loop3A_401 = arith.extui %parallel_loop3A_400 : i1 to i32
        %parallel_loop3A_402 = arith.subi %parallel_loop3A_398, %parallel_loop3A_401 : i32
        %parallel_loop3A_403 = arith.cmpi ne, %parallel_loop3A_395, %parallel_loop3A_402 : i32
        %parallel_loop3A_404 = arith.remsi %parallel_loop3A_386, %parallel_loop3A_387 : i32
        %parallel_loop3A_405 = arith.constant 0 : i32
        %parallel_loop3A_406 = arith.cmpi ne, %parallel_loop3A_404, %parallel_loop3A_405 : i32
        %parallel_loop3A_407 = arith.andi %parallel_loop3A_403, %parallel_loop3A_406 : i1
        %parallel_loop3A_408 = arith.constant 1 : i32
        %parallel_loop3A_409 = arith.subi %parallel_loop3A_388, %parallel_loop3A_408 : i32
        %parallel_loop3A_410 = arith.select %parallel_loop3A_407, %parallel_loop3A_409, %parallel_loop3A_388 : i32
        %parallel_loop3A_411 = arith.constant 64 : i32
        %parallel_loop3A_412 = arith.constant 0 : i32
        %parallel_loop3A_413 = arith.cmpi eq, %parallel_loop3A_411, %parallel_loop3A_412 : i32
        %parallel_loop3A_414 = arith.constant 1 : i32
        %parallel_loop3A_415 = arith.select %parallel_loop3A_413, %parallel_loop3A_414, %parallel_loop3A_411 : i32
        %parallel_loop3A_416 = arith.remsi %parallel_loop3A_386, %parallel_loop3A_415 : i32
        %parallel_loop3A_417 = arith.constant 0 : i32
        %parallel_loop3A_418 = arith.cmpi ne, %parallel_loop3A_416, %parallel_loop3A_417 : i32
        %parallel_loop3A_419 = arith.constant 0 : i32
        %parallel_loop3A_420 = arith.cmpi slt, %parallel_loop3A_416, %parallel_loop3A_419 : i32
        %parallel_loop3A_421 = arith.constant 0 : i32
        %parallel_loop3A_422 = arith.cmpi slt, %parallel_loop3A_415, %parallel_loop3A_421 : i32
        %parallel_loop3A_423 = arith.xori %parallel_loop3A_420, %parallel_loop3A_422 : i1
        %parallel_loop3A_424 = arith.andi %parallel_loop3A_423, %parallel_loop3A_418 : i1
        %parallel_loop3A_425 = arith.addi %parallel_loop3A_416, %parallel_loop3A_415 : i32
        %parallel_loop3A_426 = arith.select %parallel_loop3A_424, %parallel_loop3A_425, %parallel_loop3A_416 : i32
        %parallel_loop3A_427 = arith.constant 16 : i32
        %parallel_loop3A_428 = arith.muli %parallel_loop3A_426, %parallel_loop3A_427 : i32
        %parallel_loop3A_429 = arith.addi %mul3A_78, %parallel_loop3A_410 : i32
        %parallel_loop3A_430 = arith.index_cast %parallel_loop3A_429 : i32 to index
        %parallel_loop3A_431 = arith.index_cast %parallel_loop3A_428 : i32 to index
        %parallel_loop3A_432 = tpu.vector_load %arg5[%parallel_loop3A_430, %parallel_loop3A_431] {strides = array<i32>} : memref<64x1024xf32, #tpu.memory_space<vmem>>, vector<1x16xf32>,
        %parallel_loop3A_433 = vector.shape_cast %parallel_loop3A_432 : vector<1x16xf32> to vector<16xf32>
        %parallel_loop3A_434 = arith.index_cast %parallel_loop3A_410 : i32 to index
        %parallel_loop3A_435 = arith.index_cast %parallel_loop3A_428 : i32 to index
        %parallel_loop3A_436 = tpu.vector_load %arg6[%parallel_loop3A_434, %parallel_loop3A_435] {strides = array<i32>} : memref<8x1024xf32, #tpu.memory_space<vmem>>, vector<1x16xf32>,
        %parallel_loop3A_437 = vector.shape_cast %parallel_loop3A_436 : vector<1x16xf32> to vector<16xf32>
        %parallel_loop3A_438 = vector.shape_cast %parallel_loop3A_433 : vector<16xf32> to vector<1x16xf32>
        tpu.vector_store %arg6[%parallel_loop3A_434, %parallel_loop3A_435], %parallel_loop3A_438 {add = true, strides = array<i32>} : memref<8x1024xf32, #tpu.memory_space<vmem>>, vector<1x16xf32>,
      } {sc.loop_unroll_factor = 8 : i64, sc.parallel_access}
      %jit3A_81 = arith.constant 8 : i32
      %div3A = arith.divsi %add3A_58, %jit3A_81 : i32
      %sign3A = arith.constant 0 : i32
      %sign3A_82 = arith.cmpi sgt, %add3A_58, %sign3A : i32
      %sign3A_83 = arith.extui %sign3A_82 : i1 to i32
      %sign3A_84 = arith.constant 0 : i32
      %sign3A_85 = arith.cmpi slt, %add3A_58, %sign3A_84 : i32
      %sign3A_86 = arith.extui %sign3A_85 : i1 to i32
      %sign3A_87 = arith.subi %sign3A_83, %sign3A_86 : i32
      %sign3A_88 = arith.constant 0 : i32
      %sign3A_89 = arith.cmpi sgt, %jit3A_81, %sign3A_88 : i32
      %sign3A_90 = arith.extui %sign3A_89 : i1 to i32
      %sign3A_91 = arith.constant 0 : i32
      %sign3A_92 = arith.cmpi slt, %jit3A_81, %sign3A_91 : i32
      %sign3A_93 = arith.extui %sign3A_92 : i1 to i32
      %sign3A_94 = arith.subi %sign3A_90, %sign3A_93 : i32
      %ne3A_95 = arith.cmpi ne, %sign3A_87, %sign3A_94 : i32
      %rem3A_96 = arith.remsi %add3A_58, %jit3A_81 : i32
      %ne3A_97 = arith.constant 0 : i32
      %ne3A_98 = arith.cmpi ne, %rem3A_96, %ne3A_97 : i32
      %and3A_99 = arith.andi %ne3A_95, %ne3A_98 : i1
      %sub3A = arith.constant 1 : i32
      %sub3A_100 = arith.subi %div3A, %sub3A : i32
      %select_n3A_101 = arith.select %and3A_99, %sub3A_100, %div3A : i32
      %jit3A_102 = arith.constant 8 : i32
      %eq3A_103 = arith.constant 0 : i32
      %eq3A_104 = arith.cmpi eq, %jit3A_102, %eq3A_103 : i32
      %jit3A_105 = arith.constant 1 : i32
      %select_n3A_106 = arith.select %eq3A_104, %jit3A_105, %jit3A_102 : i32
      %rem3A_107 = arith.remsi %add3A_58, %select_n3A_106 : i32
      %ne3A_108 = arith.constant 0 : i32
      %ne3A_109 = arith.cmpi ne, %rem3A_107, %ne3A_108 : i32
      %lt3A_110 = arith.constant 0 : i32
      %lt3A_111 = arith.cmpi slt, %rem3A_107, %lt3A_110 : i32
      %lt3A_112 = arith.constant 0 : i32
      %lt3A_113 = arith.cmpi slt, %select_n3A_106, %lt3A_112 : i32
      %ne3A_114 = arith.xori %lt3A_111, %lt3A_113 : i1
      %and3A_115 = arith.andi %ne3A_114, %ne3A_109 : i1
      %add3A_116 = arith.addi %rem3A_107, %select_n3A_106 : i32
      %select_n3A_117 = arith.select %and3A_115, %add3A_116, %rem3A_107 : i32
      %mul3A_118 = arith.constant 2048 : i32
      %mul3A_119 = arith.muli %select_n3A_101, %mul3A_118 : i32
      %add3A_120 = arith.addi %mul3A_119, %mul3A_2 : i32
      %mul3A_121 = arith.constant 8 : i32
      %mul3A_122 = arith.muli %select_n3A_117, %mul3A_121 : i32
      %add3A_123 = arith.addi %add3A_120, %mul3A_122 : i32
      %dma_start3A_124 = arith.constant 0 : i32
      %dma_start3A_125 = tpu.memref_slice %arg4[%add3A_123, %dma_start3A_124] : memref<8192x1024xf32, #tpu.memory_space<hbm>> -> memref<8x1024xf32, #tpu.memory_space<hbm>>
      %dma_start3A_126 = arith.constant 0 : i32
      %dma_start3A_127 = tpu.memref_slice %arg4[%add3A_123, %dma_start3A_126] : memref<8192x1024xf32, #tpu.memory_space<hbm>> -> memref<8x1024xf32, #tpu.memory_space<hbm>>
      tpu.enqueue_dma source(%arg6 : memref<8x1024xf32, #tpu.memory_space<vmem>>) target(%dma_start3A_127 : memref<8x1024xf32, #tpu.memory_space<hbm>>) target_semaphore(%arg15 : memref<!tpu.dma_semaphore, #tpu.memory_space<semaphore_mem>>)
      %mul3A_128 = arith.constant 4 : i32
      %mul3A_129 = arith.muli %scan3A_54, %mul3A_128 : i32
      %add3A_130 = arith.constant 1 : i32
      %add3A_131 = arith.addi %mul3A_129, %add3A_130 : i32
      %lt3A_132 = arith.constant 30 : i32
      %lt3A_133 = arith.cmpi slt, %add3A_131, %lt3A_132 : i32
      %convert_element_type3A_134 = arith.extui %lt3A_133 : i1 to i32
      %cond3A_135 = arith.constant 0 : i32
      %cond3A_136 = arith.cmpi ne, %convert_element_type3A_134, %cond3A_135 : i32
      scf.if %cond3A_136 {
        %ge3A = arith.constant 2 : i32
        %ge3A_386 = arith.cmpi sge, %add3A_131, %ge3A : i32
        %convert_element_type3A_387 = arith.extui %ge3A_386 : i1 to i32
        %cond3A_388 = arith.constant 0 : i32
        %cond3A_389 = arith.cmpi ne, %convert_element_type3A_387, %cond3A_388 : i32
        scf.if %cond3A_389 {
          %dma_wait3A_442 = arith.constant 0 : i32
          %dma_wait3A_443 = arith.constant 0 : i32
          %dma_wait3A_444 = tpu.memref_slice %arg4[%dma_wait3A_442, %dma_wait3A_443] : memref<8192x1024xf32, #tpu.memory_space<hbm>> -> memref<8x1024xf32, #tpu.memory_space<hbm>>
          %dma_wait3A_445 = arith.constant 0 : i32
          %dma_wait3A_446 = arith.constant 0 : i32
          %dma_wait3A_447 = tpu.memref_slice %arg4[%dma_wait3A_445, %dma_wait3A_446] : memref<8192x1024xf32, #tpu.memory_space<hbm>> -> memref<8x1024xf32, #tpu.memory_space<hbm>>
          tpu.wait_dma2 semaphore(%arg18 : memref<!tpu.dma_semaphore, #tpu.memory_space<semaphore_mem>>) src(%arg9 : memref<8x1024xf32, #tpu.memory_space<vmem>>) dst(%dma_wait3A_447 : memref<8x1024xf32, #tpu.memory_space<hbm>>)
        } else {
        }
        %add3A_390 = arith.constant 2 : i32
        %add3A_391 = arith.addi %add3A_131, %add3A_390 : i32
        %jit3A_392 = arith.constant 8 : i32
        %div3A_393 = arith.divsi %add3A_391, %jit3A_392 : i32
        %sign3A_394 = arith.constant 0 : i32
        %sign3A_395 = arith.cmpi sgt, %add3A_391, %sign3A_394 : i32
        %sign3A_396 = arith.extui %sign3A_395 : i1 to i32
        %sign3A_397 = arith.constant 0 : i32
        %sign3A_398 = arith.cmpi slt, %add3A_391, %sign3A_397 : i32
        %sign3A_399 = arith.extui %sign3A_398 : i1 to i32
        %sign3A_400 = arith.subi %sign3A_396, %sign3A_399 : i32
        %sign3A_401 = arith.constant 0 : i32
        %sign3A_402 = arith.cmpi sgt, %jit3A_392, %sign3A_401 : i32
        %sign3A_403 = arith.extui %sign3A_402 : i1 to i32
        %sign3A_404 = arith.constant 0 : i32
        %sign3A_405 = arith.cmpi slt, %jit3A_392, %sign3A_404 : i32
        %sign3A_406 = arith.extui %sign3A_405 : i1 to i32
        %sign3A_407 = arith.subi %sign3A_403, %sign3A_406 : i32
        %ne3A_408 = arith.cmpi ne, %sign3A_400, %sign3A_407 : i32
        %rem3A_409 = arith.remsi %add3A_391, %jit3A_392 : i32
        %ne3A_410 = arith.constant 0 : i32
        %ne3A_411 = arith.cmpi ne, %rem3A_409, %ne3A_410 : i32
        %and3A_412 = arith.andi %ne3A_408, %ne3A_411 : i1
        %sub3A_413 = arith.constant 1 : i32
        %sub3A_414 = arith.subi %div3A_393, %sub3A_413 : i32
        %select_n3A_415 = arith.select %and3A_412, %sub3A_414, %div3A_393 : i32
        %jit3A_416 = arith.constant 8 : i32
        %eq3A_417 = arith.constant 0 : i32
        %eq3A_418 = arith.cmpi eq, %jit3A_416, %eq3A_417 : i32
        %jit3A_419 = arith.constant 1 : i32
        %select_n3A_420 = arith.select %eq3A_418, %jit3A_419, %jit3A_416 : i32
        %rem3A_421 = arith.remsi %add3A_391, %select_n3A_420 : i32
        %ne3A_422 = arith.constant 0 : i32
        %ne3A_423 = arith.cmpi ne, %rem3A_421, %ne3A_422 : i32
        %lt3A_424 = arith.constant 0 : i32
        %lt3A_425 = arith.cmpi slt, %rem3A_421, %lt3A_424 : i32
        %lt3A_426 = arith.constant 0 : i32
        %lt3A_427 = arith.cmpi slt, %select_n3A_420, %lt3A_426 : i32
        %ne3A_428 = arith.xori %lt3A_425, %lt3A_427 : i1
        %and3A_429 = arith.andi %ne3A_428, %ne3A_423 : i1
        %add3A_430 = arith.addi %rem3A_421, %select_n3A_420 : i32
        %select_n3A_431 = arith.select %and3A_429, %add3A_430, %rem3A_421 : i32
        %mul3A_432 = arith.constant 2048 : i32
        %mul3A_433 = arith.muli %select_n3A_415, %mul3A_432 : i32
        %add3A_434 = arith.addi %mul3A_433, %mul3A_2 : i32
        %mul3A_435 = arith.constant 8 : i32
        %mul3A_436 = arith.muli %select_n3A_431, %mul3A_435 : i32
        %add3A_437 = arith.addi %add3A_434, %mul3A_436 : i32
        %dma_start3A_438 = arith.constant 0 : i32
        %dma_start3A_439 = tpu.memref_slice %arg2[%add3A_437, %dma_start3A_438] : memref<8192x1024xf32, #tpu.memory_space<hbm>> -> memref<8x1024xf32, #tpu.memory_space<hbm>>
        %dma_start3A_440 = arith.constant 0 : i32
        %dma_start3A_441 = tpu.memref_slice %arg2[%add3A_437, %dma_start3A_440] : memref<8192x1024xf32, #tpu.memory_space<hbm>> -> memref<8x1024xf32, #tpu.memory_space<hbm>>
        tpu.enqueue_dma source(%dma_start3A_441 : memref<8x1024xf32, #tpu.memory_space<hbm>>) target(%arg9 : memref<8x1024xf32, #tpu.memory_space<vmem>>) target_semaphore(%arg14 : memref<!tpu.dma_semaphore, #tpu.memory_space<semaphore_mem>>)
      } else {
      }
      %dma_wait3A_137 = arith.constant 0 : i32
      %dma_wait3A_138 = arith.constant 0 : i32
      %dma_wait3A_139 = tpu.memref_slice %arg2[%dma_wait3A_137, %dma_wait3A_138] : memref<8192x1024xf32, #tpu.memory_space<hbm>> -> memref<8x1024xf32, #tpu.memory_space<hbm>>
      %dma_wait3A_140 = arith.constant 0 : i32
      %dma_wait3A_141 = arith.constant 0 : i32
      %dma_wait3A_142 = tpu.memref_slice %arg2[%dma_wait3A_140, %dma_wait3A_141] : memref<8192x1024xf32, #tpu.memory_space<hbm>> -> memref<8x1024xf32, #tpu.memory_space<hbm>>
      tpu.wait_dma2 semaphore(%arg12 : memref<!tpu.dma_semaphore, #tpu.memory_space<semaphore_mem>>) src(%dma_wait3A_142 : memref<8x1024xf32, #tpu.memory_space<hbm>>) dst(%arg7 : memref<8x1024xf32, #tpu.memory_space<vmem>>)
      %jit3A_143 = arith.constant 8 : i32
      %eq3A_144 = arith.constant 0 : i32
      %eq3A_145 = arith.cmpi eq, %jit3A_143, %eq3A_144 : i32
      %jit3A_146 = arith.constant 1 : i32
      %select_n3A_147 = arith.select %eq3A_145, %jit3A_146, %jit3A_143 : i32
      %rem3A_148 = arith.remsi %add3A_131, %select_n3A_147 : i32
      %ne3A_149 = arith.constant 0 : i32
      %ne3A_150 = arith.cmpi ne, %rem3A_148, %ne3A_149 : i32
      %lt3A_151 = arith.constant 0 : i32
      %lt3A_152 = arith.cmpi slt, %rem3A_148, %lt3A_151 : i32
      %lt3A_153 = arith.constant 0 : i32
      %lt3A_154 = arith.cmpi slt, %select_n3A_147, %lt3A_153 : i32
      %ne3A_155 = arith.xori %lt3A_152, %lt3A_154 : i1
      %and3A_156 = arith.andi %ne3A_155, %ne3A_150 : i1
      %add3A_157 = arith.addi %rem3A_148, %select_n3A_147 : i32
      %select_n3A_158 = arith.select %and3A_156, %add3A_157, %rem3A_148 : i32
      %mul3A_159 = arith.constant 8 : i32
      %mul3A_160 = arith.muli %select_n3A_158, %mul3A_159 : i32
      %parallel_loop3A_161 = arith.constant 0 : i32
      %parallel_loop3A_162 = arith.constant 512 : i32
      %parallel_loop3A_163 = arith.constant 1 : i32
      scf.for %parallel_loop3A_386 = %parallel_loop3A_161 to %parallel_loop3A_162 step %parallel_loop3A_163  : i32 {
        %parallel_loop3A_387 = arith.constant 64 : i32
        %parallel_loop3A_388 = arith.divsi %parallel_loop3A_386, %parallel_loop3A_387 : i32
        %parallel_loop3A_389 = arith.constant 0 : i32
        %parallel_loop3A_390 = arith.cmpi sgt, %parallel_loop3A_386, %parallel_loop3A_389 : i32
        %parallel_loop3A_391 = arith.extui %parallel_loop3A_390 : i1 to i32
        %parallel_loop3A_392 = arith.constant 0 : i32
        %parallel_loop3A_393 = arith.cmpi slt, %parallel_loop3A_386, %parallel_loop3A_392 : i32
        %parallel_loop3A_394 = arith.extui %parallel_loop3A_393 : i1 to i32
        %parallel_loop3A_395 = arith.subi %parallel_loop3A_391, %parallel_loop3A_394 : i32
        %parallel_loop3A_396 = arith.constant 0 : i32
        %parallel_loop3A_397 = arith.cmpi sgt, %parallel_loop3A_387, %parallel_loop3A_396 : i32
        %parallel_loop3A_398 = arith.extui %parallel_loop3A_397 : i1 to i32
        %parallel_loop3A_399 = arith.constant 0 : i32
        %parallel_loop3A_400 = arith.cmpi slt, %parallel_loop3A_387, %parallel_loop3A_399 : i32
        %parallel_loop3A_401 = arith.extui %parallel_loop3A_400 : i1 to i32
        %parallel_loop3A_402 = arith.subi %parallel_loop3A_398, %parallel_loop3A_401 : i32
        %parallel_loop3A_403 = arith.cmpi ne, %parallel_loop3A_395, %parallel_loop3A_402 : i32
        %parallel_loop3A_404 = arith.remsi %parallel_loop3A_386, %parallel_loop3A_387 : i32
        %parallel_loop3A_405 = arith.constant 0 : i32
        %parallel_loop3A_406 = arith.cmpi ne, %parallel_loop3A_404, %parallel_loop3A_405 : i32
        %parallel_loop3A_407 = arith.andi %parallel_loop3A_403, %parallel_loop3A_406 : i1
        %parallel_loop3A_408 = arith.constant 1 : i32
        %parallel_loop3A_409 = arith.subi %parallel_loop3A_388, %parallel_loop3A_408 : i32
        %parallel_loop3A_410 = arith.select %parallel_loop3A_407, %parallel_loop3A_409, %parallel_loop3A_388 : i32
        %parallel_loop3A_411 = arith.constant 64 : i32
        %parallel_loop3A_412 = arith.constant 0 : i32
        %parallel_loop3A_413 = arith.cmpi eq, %parallel_loop3A_411, %parallel_loop3A_412 : i32
        %parallel_loop3A_414 = arith.constant 1 : i32
        %parallel_loop3A_415 = arith.select %parallel_loop3A_413, %parallel_loop3A_414, %parallel_loop3A_411 : i32
        %parallel_loop3A_416 = arith.remsi %parallel_loop3A_386, %parallel_loop3A_415 : i32
        %parallel_loop3A_417 = arith.constant 0 : i32
        %parallel_loop3A_418 = arith.cmpi ne, %parallel_loop3A_416, %parallel_loop3A_417 : i32
        %parallel_loop3A_419 = arith.constant 0 : i32
        %parallel_loop3A_420 = arith.cmpi slt, %parallel_loop3A_416, %parallel_loop3A_419 : i32
        %parallel_loop3A_421 = arith.constant 0 : i32
        %parallel_loop3A_422 = arith.cmpi slt, %parallel_loop3A_415, %parallel_loop3A_421 : i32
        %parallel_loop3A_423 = arith.xori %parallel_loop3A_420, %parallel_loop3A_422 : i1
        %parallel_loop3A_424 = arith.andi %parallel_loop3A_423, %parallel_loop3A_418 : i1
        %parallel_loop3A_425 = arith.addi %parallel_loop3A_416, %parallel_loop3A_415 : i32
        %parallel_loop3A_426 = arith.select %parallel_loop3A_424, %parallel_loop3A_425, %parallel_loop3A_416 : i32
        %parallel_loop3A_427 = arith.constant 16 : i32
        %parallel_loop3A_428 = arith.muli %parallel_loop3A_426, %parallel_loop3A_427 : i32
        %parallel_loop3A_429 = arith.addi %mul3A_160, %parallel_loop3A_410 : i32
        %parallel_loop3A_430 = arith.index_cast %parallel_loop3A_429 : i32 to index
        %parallel_loop3A_431 = arith.index_cast %parallel_loop3A_428 : i32 to index
        %parallel_loop3A_432 = tpu.vector_load %arg5[%parallel_loop3A_430, %parallel_loop3A_431] {strides = array<i32>} : memref<64x1024xf32, #tpu.memory_space<vmem>>, vector<1x16xf32>,
        %parallel_loop3A_433 = vector.shape_cast %parallel_loop3A_432 : vector<1x16xf32> to vector<16xf32>
        %parallel_loop3A_434 = arith.index_cast %parallel_loop3A_410 : i32 to index
        %parallel_loop3A_435 = arith.index_cast %parallel_loop3A_428 : i32 to index
        %parallel_loop3A_436 = tpu.vector_load %arg7[%parallel_loop3A_434, %parallel_loop3A_435] {strides = array<i32>} : memref<8x1024xf32, #tpu.memory_space<vmem>>, vector<1x16xf32>,
        %parallel_loop3A_437 = vector.shape_cast %parallel_loop3A_436 : vector<1x16xf32> to vector<16xf32>
        %parallel_loop3A_438 = vector.shape_cast %parallel_loop3A_433 : vector<16xf32> to vector<1x16xf32>
        tpu.vector_store %arg7[%parallel_loop3A_434, %parallel_loop3A_435], %parallel_loop3A_438 {add = true, strides = array<i32>} : memref<8x1024xf32, #tpu.memory_space<vmem>>, vector<1x16xf32>,
      } {sc.loop_unroll_factor = 8 : i64, sc.parallel_access}
      %jit3A_164 = arith.constant 8 : i32
      %div3A_165 = arith.divsi %add3A_131, %jit3A_164 : i32
      %sign3A_166 = arith.constant 0 : i32
      %sign3A_167 = arith.cmpi sgt, %add3A_131, %sign3A_166 : i32
      %sign3A_168 = arith.extui %sign3A_167 : i1 to i32
      %sign3A_169 = arith.constant 0 : i32
      %sign3A_170 = arith.cmpi slt, %add3A_131, %sign3A_169 : i32
      %sign3A_171 = arith.extui %sign3A_170 : i1 to i32
      %sign3A_172 = arith.subi %sign3A_168, %sign3A_171 : i32
      %sign3A_173 = arith.constant 0 : i32
      %sign3A_174 = arith.cmpi sgt, %jit3A_164, %sign3A_173 : i32
      %sign3A_175 = arith.extui %sign3A_174 : i1 to i32
      %sign3A_176 = arith.constant 0 : i32
      %sign3A_177 = arith.cmpi slt, %jit3A_164, %sign3A_176 : i32
      %sign3A_178 = arith.extui %sign3A_177 : i1 to i32
      %sign3A_179 = arith.subi %sign3A_175, %sign3A_178 : i32
      %ne3A_180 = arith.cmpi ne, %sign3A_172, %sign3A_179 : i32
      %rem3A_181 = arith.remsi %add3A_131, %jit3A_164 : i32
      %ne3A_182 = arith.constant 0 : i32
      %ne3A_183 = arith.cmpi ne, %rem3A_181, %ne3A_182 : i32
      %and3A_184 = arith.andi %ne3A_180, %ne3A_183 : i1
      %sub3A_185 = arith.constant 1 : i32
      %sub3A_186 = arith.subi %div3A_165, %sub3A_185 : i32
      %select_n3A_187 = arith.select %and3A_184, %sub3A_186, %div3A_165 : i32
      %jit3A_188 = arith.constant 8 : i32
      %eq3A_189 = arith.constant 0 : i32
      %eq3A_190 = arith.cmpi eq, %jit3A_188, %eq3A_189 : i32
      %jit3A_191 = arith.constant 1 : i32
      %select_n3A_192 = arith.select %eq3A_190, %jit3A_191, %jit3A_188 : i32
      %rem3A_193 = arith.remsi %add3A_131, %select_n3A_192 : i32
      %ne3A_194 = arith.constant 0 : i32
      %ne3A_195 = arith.cmpi ne, %rem3A_193, %ne3A_194 : i32
      %lt3A_196 = arith.constant 0 : i32
      %lt3A_197 = arith.cmpi slt, %rem3A_193, %lt3A_196 : i32
      %lt3A_198 = arith.constant 0 : i32
      %lt3A_199 = arith.cmpi slt, %select_n3A_192, %lt3A_198 : i32
      %ne3A_200 = arith.xori %lt3A_197, %lt3A_199 : i1
      %and3A_201 = arith.andi %ne3A_200, %ne3A_195 : i1
      %add3A_202 = arith.addi %rem3A_193, %select_n3A_192 : i32
      %select_n3A_203 = arith.select %and3A_201, %add3A_202, %rem3A_193 : i32
      %mul3A_204 = arith.constant 2048 : i32
      %mul3A_205 = arith.muli %select_n3A_187, %mul3A_204 : i32
      %add3A_206 = arith.addi %mul3A_205, %mul3A_2 : i32
      %mul3A_207 = arith.constant 8 : i32
      %mul3A_208 = arith.muli %select_n3A_203, %mul3A_207 : i32
      %add3A_209 = arith.addi %add3A_206, %mul3A_208 : i32
      %dma_start3A_210 = arith.constant 0 : i32
      %dma_start3A_211 = tpu.memref_slice %arg4[%add3A_209, %dma_start3A_210] : memref<8192x1024xf32, #tpu.memory_space<hbm>> -> memref<8x1024xf32, #tpu.memory_space<hbm>>
      %dma_start3A_212 = arith.constant 0 : i32
      %dma_start3A_213 = tpu.memref_slice %arg4[%add3A_209, %dma_start3A_212] : memref<8192x1024xf32, #tpu.memory_space<hbm>> -> memref<8x1024xf32, #tpu.memory_space<hbm>>
      tpu.enqueue_dma source(%arg7 : memref<8x1024xf32, #tpu.memory_space<vmem>>) target(%dma_start3A_213 : memref<8x1024xf32, #tpu.memory_space<hbm>>) target_semaphore(%arg16 : memref<!tpu.dma_semaphore, #tpu.memory_space<semaphore_mem>>)
      %mul3A_214 = arith.constant 4 : i32
      %mul3A_215 = arith.muli %scan3A_54, %mul3A_214 : i32
      %add3A_216 = arith.constant 2 : i32
      %add3A_217 = arith.addi %mul3A_215, %add3A_216 : i32
      %lt3A_218 = arith.constant 30 : i32
      %lt3A_219 = arith.cmpi slt, %add3A_217, %lt3A_218 : i32
      %convert_element_type3A_220 = arith.extui %lt3A_219 : i1 to i32
      %cond3A_221 = arith.constant 0 : i32
      %cond3A_222 = arith.cmpi ne, %convert_element_type3A_220, %cond3A_221 : i32
      scf.if %cond3A_222 {
        %ge3A = arith.constant 2 : i32
        %ge3A_386 = arith.cmpi sge, %add3A_217, %ge3A : i32
        %convert_element_type3A_387 = arith.extui %ge3A_386 : i1 to i32
        %cond3A_388 = arith.constant 0 : i32
        %cond3A_389 = arith.cmpi ne, %convert_element_type3A_387, %cond3A_388 : i32
        scf.if %cond3A_389 {
          %dma_wait3A_442 = arith.constant 0 : i32
          %dma_wait3A_443 = arith.constant 0 : i32
          %dma_wait3A_444 = tpu.memref_slice %arg4[%dma_wait3A_442, %dma_wait3A_443] : memref<8192x1024xf32, #tpu.memory_space<hbm>> -> memref<8x1024xf32, #tpu.memory_space<hbm>>
          %dma_wait3A_445 = arith.constant 0 : i32
          %dma_wait3A_446 = arith.constant 0 : i32
          %dma_wait3A_447 = tpu.memref_slice %arg4[%dma_wait3A_445, %dma_wait3A_446] : memref<8192x1024xf32, #tpu.memory_space<hbm>> -> memref<8x1024xf32, #tpu.memory_space<hbm>>
          tpu.wait_dma2 semaphore(%arg15 : memref<!tpu.dma_semaphore, #tpu.memory_space<semaphore_mem>>) src(%arg6 : memref<8x1024xf32, #tpu.memory_space<vmem>>) dst(%dma_wait3A_447 : memref<8x1024xf32, #tpu.memory_space<hbm>>)
        } else {
        }
        %add3A_390 = arith.constant 2 : i32
        %add3A_391 = arith.addi %add3A_217, %add3A_390 : i32
        %jit3A_392 = arith.constant 8 : i32
        %div3A_393 = arith.divsi %add3A_391, %jit3A_392 : i32
        %sign3A_394 = arith.constant 0 : i32
        %sign3A_395 = arith.cmpi sgt, %add3A_391, %sign3A_394 : i32
        %sign3A_396 = arith.extui %sign3A_395 : i1 to i32
        %sign3A_397 = arith.constant 0 : i32
        %sign3A_398 = arith.cmpi slt, %add3A_391, %sign3A_397 : i32
        %sign3A_399 = arith.extui %sign3A_398 : i1 to i32
        %sign3A_400 = arith.subi %sign3A_396, %sign3A_399 : i32
        %sign3A_401 = arith.constant 0 : i32
        %sign3A_402 = arith.cmpi sgt, %jit3A_392, %sign3A_401 : i32
        %sign3A_403 = arith.extui %sign3A_402 : i1 to i32
        %sign3A_404 = arith.constant 0 : i32
        %sign3A_405 = arith.cmpi slt, %jit3A_392, %sign3A_404 : i32
        %sign3A_406 = arith.extui %sign3A_405 : i1 to i32
        %sign3A_407 = arith.subi %sign3A_403, %sign3A_406 : i32
        %ne3A_408 = arith.cmpi ne, %sign3A_400, %sign3A_407 : i32
        %rem3A_409 = arith.remsi %add3A_391, %jit3A_392 : i32
        %ne3A_410 = arith.constant 0 : i32
        %ne3A_411 = arith.cmpi ne, %rem3A_409, %ne3A_410 : i32
        %and3A_412 = arith.andi %ne3A_408, %ne3A_411 : i1
        %sub3A_413 = arith.constant 1 : i32
        %sub3A_414 = arith.subi %div3A_393, %sub3A_413 : i32
        %select_n3A_415 = arith.select %and3A_412, %sub3A_414, %div3A_393 : i32
        %jit3A_416 = arith.constant 8 : i32
        %eq3A_417 = arith.constant 0 : i32
        %eq3A_418 = arith.cmpi eq, %jit3A_416, %eq3A_417 : i32
        %jit3A_419 = arith.constant 1 : i32
        %select_n3A_420 = arith.select %eq3A_418, %jit3A_419, %jit3A_416 : i32
        %rem3A_421 = arith.remsi %add3A_391, %select_n3A_420 : i32
        %ne3A_422 = arith.constant 0 : i32
        %ne3A_423 = arith.cmpi ne, %rem3A_421, %ne3A_422 : i32
        %lt3A_424 = arith.constant 0 : i32
        %lt3A_425 = arith.cmpi slt, %rem3A_421, %lt3A_424 : i32
        %lt3A_426 = arith.constant 0 : i32
        %lt3A_427 = arith.cmpi slt, %select_n3A_420, %lt3A_426 : i32
        %ne3A_428 = arith.xori %lt3A_425, %lt3A_427 : i1
        %and3A_429 = arith.andi %ne3A_428, %ne3A_423 : i1
        %add3A_430 = arith.addi %rem3A_421, %select_n3A_420 : i32
        %select_n3A_431 = arith.select %and3A_429, %add3A_430, %rem3A_421 : i32
        %mul3A_432 = arith.constant 2048 : i32
        %mul3A_433 = arith.muli %select_n3A_415, %mul3A_432 : i32
        %add3A_434 = arith.addi %mul3A_433, %mul3A_2 : i32
        %mul3A_435 = arith.constant 8 : i32
        %mul3A_436 = arith.muli %select_n3A_431, %mul3A_435 : i32
        %add3A_437 = arith.addi %add3A_434, %mul3A_436 : i32
        %dma_start3A_438 = arith.constant 0 : i32
        %dma_start3A_439 = tpu.memref_slice %arg2[%add3A_437, %dma_start3A_438] : memref<8192x1024xf32, #tpu.memory_space<hbm>> -> memref<8x1024xf32, #tpu.memory_space<hbm>>
        %dma_start3A_440 = arith.constant 0 : i32
        %dma_start3A_441 = tpu.memref_slice %arg2[%add3A_437, %dma_start3A_440] : memref<8192x1024xf32, #tpu.memory_space<hbm>> -> memref<8x1024xf32, #tpu.memory_space<hbm>>
        tpu.enqueue_dma source(%dma_start3A_441 : memref<8x1024xf32, #tpu.memory_space<hbm>>) target(%arg6 : memref<8x1024xf32, #tpu.memory_space<vmem>>) target_semaphore(%arg11 : memref<!tpu.dma_semaphore, #tpu.memory_space<semaphore_mem>>)
      } else {
      }
      %dma_wait3A_223 = arith.constant 0 : i32
      %dma_wait3A_224 = arith.constant 0 : i32
      %dma_wait3A_225 = tpu.memref_slice %arg2[%dma_wait3A_223, %dma_wait3A_224] : memref<8192x1024xf32, #tpu.memory_space<hbm>> -> memref<8x1024xf32, #tpu.memory_space<hbm>>
      %dma_wait3A_226 = arith.constant 0 : i32
      %dma_wait3A_227 = arith.constant 0 : i32
      %dma_wait3A_228 = tpu.memref_slice %arg2[%dma_wait3A_226, %dma_wait3A_227] : memref<8192x1024xf32, #tpu.memory_space<hbm>> -> memref<8x1024xf32, #tpu.memory_space<hbm>>
      tpu.wait_dma2 semaphore(%arg13 : memref<!tpu.dma_semaphore, #tpu.memory_space<semaphore_mem>>) src(%dma_wait3A_228 : memref<8x1024xf32, #tpu.memory_space<hbm>>) dst(%arg8 : memref<8x1024xf32, #tpu.memory_space<vmem>>)
      %jit3A_229 = arith.constant 8 : i32
      %eq3A_230 = arith.constant 0 : i32
      %eq3A_231 = arith.cmpi eq, %jit3A_229, %eq3A_230 : i32
      %jit3A_232 = arith.constant 1 : i32
      %select_n3A_233 = arith.select %eq3A_231, %jit3A_232, %jit3A_229 : i32
      %rem3A_234 = arith.remsi %add3A_217, %select_n3A_233 : i32
      %ne3A_235 = arith.constant 0 : i32
      %ne3A_236 = arith.cmpi ne, %rem3A_234, %ne3A_235 : i32
      %lt3A_237 = arith.constant 0 : i32
      %lt3A_238 = arith.cmpi slt, %rem3A_234, %lt3A_237 : i32
      %lt3A_239 = arith.constant 0 : i32
      %lt3A_240 = arith.cmpi slt, %select_n3A_233, %lt3A_239 : i32
      %ne3A_241 = arith.xori %lt3A_238, %lt3A_240 : i1
      %and3A_242 = arith.andi %ne3A_241, %ne3A_236 : i1
      %add3A_243 = arith.addi %rem3A_234, %select_n3A_233 : i32
      %select_n3A_244 = arith.select %and3A_242, %add3A_243, %rem3A_234 : i32
      %mul3A_245 = arith.constant 8 : i32
      %mul3A_246 = arith.muli %select_n3A_244, %mul3A_245 : i32
      %parallel_loop3A_247 = arith.constant 0 : i32
      %parallel_loop3A_248 = arith.constant 512 : i32
      %parallel_loop3A_249 = arith.constant 1 : i32
      scf.for %parallel_loop3A_386 = %parallel_loop3A_247 to %parallel_loop3A_248 step %parallel_loop3A_249  : i32 {
        %parallel_loop3A_387 = arith.constant 64 : i32
        %parallel_loop3A_388 = arith.divsi %parallel_loop3A_386, %parallel_loop3A_387 : i32
        %parallel_loop3A_389 = arith.constant 0 : i32
        %parallel_loop3A_390 = arith.cmpi sgt, %parallel_loop3A_386, %parallel_loop3A_389 : i32
        %parallel_loop3A_391 = arith.extui %parallel_loop3A_390 : i1 to i32
        %parallel_loop3A_392 = arith.constant 0 : i32
        %parallel_loop3A_393 = arith.cmpi slt, %parallel_loop3A_386, %parallel_loop3A_392 : i32
        %parallel_loop3A_394 = arith.extui %parallel_loop3A_393 : i1 to i32
        %parallel_loop3A_395 = arith.subi %parallel_loop3A_391, %parallel_loop3A_394 : i32
        %parallel_loop3A_396 = arith.constant 0 : i32
        %parallel_loop3A_397 = arith.cmpi sgt, %parallel_loop3A_387, %parallel_loop3A_396 : i32
        %parallel_loop3A_398 = arith.extui %parallel_loop3A_397 : i1 to i32
        %parallel_loop3A_399 = arith.constant 0 : i32
        %parallel_loop3A_400 = arith.cmpi slt, %parallel_loop3A_387, %parallel_loop3A_399 : i32
        %parallel_loop3A_401 = arith.extui %parallel_loop3A_400 : i1 to i32
        %parallel_loop3A_402 = arith.subi %parallel_loop3A_398, %parallel_loop3A_401 : i32
        %parallel_loop3A_403 = arith.cmpi ne, %parallel_loop3A_395, %parallel_loop3A_402 : i32
        %parallel_loop3A_404 = arith.remsi %parallel_loop3A_386, %parallel_loop3A_387 : i32
        %parallel_loop3A_405 = arith.constant 0 : i32
        %parallel_loop3A_406 = arith.cmpi ne, %parallel_loop3A_404, %parallel_loop3A_405 : i32
        %parallel_loop3A_407 = arith.andi %parallel_loop3A_403, %parallel_loop3A_406 : i1
        %parallel_loop3A_408 = arith.constant 1 : i32
        %parallel_loop3A_409 = arith.subi %parallel_loop3A_388, %parallel_loop3A_408 : i32
        %parallel_loop3A_410 = arith.select %parallel_loop3A_407, %parallel_loop3A_409, %parallel_loop3A_388 : i32
        %parallel_loop3A_411 = arith.constant 64 : i32
        %parallel_loop3A_412 = arith.constant 0 : i32
        %parallel_loop3A_413 = arith.cmpi eq, %parallel_loop3A_411, %parallel_loop3A_412 : i32
        %parallel_loop3A_414 = arith.constant 1 : i32
        %parallel_loop3A_415 = arith.select %parallel_loop3A_413, %parallel_loop3A_414, %parallel_loop3A_411 : i32
        %parallel_loop3A_416 = arith.remsi %parallel_loop3A_386, %parallel_loop3A_415 : i32
        %parallel_loop3A_417 = arith.constant 0 : i32
        %parallel_loop3A_418 = arith.cmpi ne, %parallel_loop3A_416, %parallel_loop3A_417 : i32
        %parallel_loop3A_419 = arith.constant 0 : i32
        %parallel_loop3A_420 = arith.cmpi slt, %parallel_loop3A_416, %parallel_loop3A_419 : i32
        %parallel_loop3A_421 = arith.constant 0 : i32
        %parallel_loop3A_422 = arith.cmpi slt, %parallel_loop3A_415, %parallel_loop3A_421 : i32
        %parallel_loop3A_423 = arith.xori %parallel_loop3A_420, %parallel_loop3A_422 : i1
        %parallel_loop3A_424 = arith.andi %parallel_loop3A_423, %parallel_loop3A_418 : i1
        %parallel_loop3A_425 = arith.addi %parallel_loop3A_416, %parallel_loop3A_415 : i32
        %parallel_loop3A_426 = arith.select %parallel_loop3A_424, %parallel_loop3A_425, %parallel_loop3A_416 : i32
        %parallel_loop3A_427 = arith.constant 16 : i32
        %parallel_loop3A_428 = arith.muli %parallel_loop3A_426, %parallel_loop3A_427 : i32
        %parallel_loop3A_429 = arith.addi %mul3A_246, %parallel_loop3A_410 : i32
        %parallel_loop3A_430 = arith.index_cast %parallel_loop3A_429 : i32 to index
        %parallel_loop3A_431 = arith.index_cast %parallel_loop3A_428 : i32 to index
        %parallel_loop3A_432 = tpu.vector_load %arg5[%parallel_loop3A_430, %parallel_loop3A_431] {strides = array<i32>} : memref<64x1024xf32, #tpu.memory_space<vmem>>, vector<1x16xf32>,
        %parallel_loop3A_433 = vector.shape_cast %parallel_loop3A_432 : vector<1x16xf32> to vector<16xf32>
        %parallel_loop3A_434 = arith.index_cast %parallel_loop3A_410 : i32 to index
        %parallel_loop3A_435 = arith.index_cast %parallel_loop3A_428 : i32 to index
        %parallel_loop3A_436 = tpu.vector_load %arg8[%parallel_loop3A_434, %parallel_loop3A_435] {strides = array<i32>} : memref<8x1024xf32, #tpu.memory_space<vmem>>, vector<1x16xf32>,
        %parallel_loop3A_437 = vector.shape_cast %parallel_loop3A_436 : vector<1x16xf32> to vector<16xf32>
        %parallel_loop3A_438 = vector.shape_cast %parallel_loop3A_433 : vector<16xf32> to vector<1x16xf32>
        tpu.vector_store %arg8[%parallel_loop3A_434, %parallel_loop3A_435], %parallel_loop3A_438 {add = true, strides = array<i32>} : memref<8x1024xf32, #tpu.memory_space<vmem>>, vector<1x16xf32>,
      } {sc.loop_unroll_factor = 8 : i64, sc.parallel_access}
      %jit3A_250 = arith.constant 8 : i32
      %div3A_251 = arith.divsi %add3A_217, %jit3A_250 : i32
      %sign3A_252 = arith.constant 0 : i32
      %sign3A_253 = arith.cmpi sgt, %add3A_217, %sign3A_252 : i32
      %sign3A_254 = arith.extui %sign3A_253 : i1 to i32
      %sign3A_255 = arith.constant 0 : i32
      %sign3A_256 = arith.cmpi slt, %add3A_217, %sign3A_255 : i32
      %sign3A_257 = arith.extui %sign3A_256 : i1 to i32
      %sign3A_258 = arith.subi %sign3A_254, %sign3A_257 : i32
      %sign3A_259 = arith.constant 0 : i32
      %sign3A_260 = arith.cmpi sgt, %jit3A_250, %sign3A_259 : i32
      %sign3A_261 = arith.extui %sign3A_260 : i1 to i32
      %sign3A_262 = arith.constant 0 : i32
      %sign3A_263 = arith.cmpi slt, %jit3A_250, %sign3A_262 : i32
      %sign3A_264 = arith.extui %sign3A_263 : i1 to i32
      %sign3A_265 = arith.subi %sign3A_261, %sign3A_264 : i32
      %ne3A_266 = arith.cmpi ne, %sign3A_258, %sign3A_265 : i32
      %rem3A_267 = arith.remsi %add3A_217, %jit3A_250 : i32
      %ne3A_268 = arith.constant 0 : i32
      %ne3A_269 = arith.cmpi ne, %rem3A_267, %ne3A_268 : i32
      %and3A_270 = arith.andi %ne3A_266, %ne3A_269 : i1
      %sub3A_271 = arith.constant 1 : i32
      %sub3A_272 = arith.subi %div3A_251, %sub3A_271 : i32
      %select_n3A_273 = arith.select %and3A_270, %sub3A_272, %div3A_251 : i32
      %jit3A_274 = arith.constant 8 : i32
      %eq3A_275 = arith.constant 0 : i32
      %eq3A_276 = arith.cmpi eq, %jit3A_274, %eq3A_275 : i32
      %jit3A_277 = arith.constant 1 : i32
      %select_n3A_278 = arith.select %eq3A_276, %jit3A_277, %jit3A_274 : i32
      %rem3A_279 = arith.remsi %add3A_217, %select_n3A_278 : i32
      %ne3A_280 = arith.constant 0 : i32
      %ne3A_281 = arith.cmpi ne, %rem3A_279, %ne3A_280 : i32
      %lt3A_282 = arith.constant 0 : i32
      %lt3A_283 = arith.cmpi slt, %rem3A_279, %lt3A_282 : i32
      %lt3A_284 = arith.constant 0 : i32
      %lt3A_285 = arith.cmpi slt, %select_n3A_278, %lt3A_284 : i32
      %ne3A_286 = arith.xori %lt3A_283, %lt3A_285 : i1
      %and3A_287 = arith.andi %ne3A_286, %ne3A_281 : i1
      %add3A_288 = arith.addi %rem3A_279, %select_n3A_278 : i32
      %select_n3A_289 = arith.select %and3A_287, %add3A_288, %rem3A_279 : i32
      %mul3A_290 = arith.constant 2048 : i32
      %mul3A_291 = arith.muli %select_n3A_273, %mul3A_290 : i32
      %add3A_292 = arith.addi %mul3A_291, %mul3A_2 : i32
      %mul3A_293 = arith.constant 8 : i32
      %mul3A_294 = arith.muli %select_n3A_289, %mul3A_293 : i32
      %add3A_295 = arith.addi %add3A_292, %mul3A_294 : i32
      %dma_start3A_296 = arith.constant 0 : i32
      %dma_start3A_297 = tpu.memref_slice %arg4[%add3A_295, %dma_start3A_296] : memref<8192x1024xf32, #tpu.memory_space<hbm>> -> memref<8x1024xf32, #tpu.memory_space<hbm>>
      %dma_start3A_298 = arith.constant 0 : i32
      %dma_start3A_299 = tpu.memref_slice %arg4[%add3A_295, %dma_start3A_298] : memref<8192x1024xf32, #tpu.memory_space<hbm>> -> memref<8x1024xf32, #tpu.memory_space<hbm>>
      tpu.enqueue_dma source(%arg8 : memref<8x1024xf32, #tpu.memory_space<vmem>>) target(%dma_start3A_299 : memref<8x1024xf32, #tpu.memory_space<hbm>>) target_semaphore(%arg17 : memref<!tpu.dma_semaphore, #tpu.memory_space<semaphore_mem>>)
      %mul3A_300 = arith.constant 4 : i32
      %mul3A_301 = arith.muli %scan3A_54, %mul3A_300 : i32
      %add3A_302 = arith.constant 3 : i32
      %add3A_303 = arith.addi %mul3A_301, %add3A_302 : i32
      %lt3A_304 = arith.constant 30 : i32
      %lt3A_305 = arith.cmpi slt, %add3A_303, %lt3A_304 : i32
      %convert_element_type3A_306 = arith.extui %lt3A_305 : i1 to i32
      %cond3A_307 = arith.constant 0 : i32
      %cond3A_308 = arith.cmpi ne, %convert_element_type3A_306, %cond3A_307 : i32
      scf.if %cond3A_308 {
        %ge3A = arith.constant 2 : i32
        %ge3A_386 = arith.cmpi sge, %add3A_303, %ge3A : i32
        %convert_element_type3A_387 = arith.extui %ge3A_386 : i1 to i32
        %cond3A_388 = arith.constant 0 : i32
        %cond3A_389 = arith.cmpi ne, %convert_element_type3A_387, %cond3A_388 : i32
        scf.if %cond3A_389 {
          %dma_wait3A_442 = arith.constant 0 : i32
          %dma_wait3A_443 = arith.constant 0 : i32
          %dma_wait3A_444 = tpu.memref_slice %arg4[%dma_wait3A_442, %dma_wait3A_443] : memref<8192x1024xf32, #tpu.memory_space<hbm>> -> memref<8x1024xf32, #tpu.memory_space<hbm>>
          %dma_wait3A_445 = arith.constant 0 : i32
          %dma_wait3A_446 = arith.constant 0 : i32
          %dma_wait3A_447 = tpu.memref_slice %arg4[%dma_wait3A_445, %dma_wait3A_446] : memref<8192x1024xf32, #tpu.memory_space<hbm>> -> memref<8x1024xf32, #tpu.memory_space<hbm>>
          tpu.wait_dma2 semaphore(%arg16 : memref<!tpu.dma_semaphore, #tpu.memory_space<semaphore_mem>>) src(%arg7 : memref<8x1024xf32, #tpu.memory_space<vmem>>) dst(%dma_wait3A_447 : memref<8x1024xf32, #tpu.memory_space<hbm>>)
        } else {
        }
        %add3A_390 = arith.constant 2 : i32
        %add3A_391 = arith.addi %add3A_303, %add3A_390 : i32
        %jit3A_392 = arith.constant 8 : i32
        %div3A_393 = arith.divsi %add3A_391, %jit3A_392 : i32
        %sign3A_394 = arith.constant 0 : i32
        %sign3A_395 = arith.cmpi sgt, %add3A_391, %sign3A_394 : i32
        %sign3A_396 = arith.extui %sign3A_395 : i1 to i32
        %sign3A_397 = arith.constant 0 : i32
        %sign3A_398 = arith.cmpi slt, %add3A_391, %sign3A_397 : i32
        %sign3A_399 = arith.extui %sign3A_398 : i1 to i32
        %sign3A_400 = arith.subi %sign3A_396, %sign3A_399 : i32
        %sign3A_401 = arith.constant 0 : i32
        %sign3A_402 = arith.cmpi sgt, %jit3A_392, %sign3A_401 : i32
        %sign3A_403 = arith.extui %sign3A_402 : i1 to i32
        %sign3A_404 = arith.constant 0 : i32
        %sign3A_405 = arith.cmpi slt, %jit3A_392, %sign3A_404 : i32
        %sign3A_406 = arith.extui %sign3A_405 : i1 to i32
        %sign3A_407 = arith.subi %sign3A_403, %sign3A_406 : i32
        %ne3A_408 = arith.cmpi ne, %sign3A_400, %sign3A_407 : i32
        %rem3A_409 = arith.remsi %add3A_391, %jit3A_392 : i32
        %ne3A_410 = arith.constant 0 : i32
        %ne3A_411 = arith.cmpi ne, %rem3A_409, %ne3A_410 : i32
        %and3A_412 = arith.andi %ne3A_408, %ne3A_411 : i1
        %sub3A_413 = arith.constant 1 : i32
        %sub3A_414 = arith.subi %div3A_393, %sub3A_413 : i32
        %select_n3A_415 = arith.select %and3A_412, %sub3A_414, %div3A_393 : i32
        %jit3A_416 = arith.constant 8 : i32
        %eq3A_417 = arith.constant 0 : i32
        %eq3A_418 = arith.cmpi eq, %jit3A_416, %eq3A_417 : i32
        %jit3A_419 = arith.constant 1 : i32
        %select_n3A_420 = arith.select %eq3A_418, %jit3A_419, %jit3A_416 : i32
        %rem3A_421 = arith.remsi %add3A_391, %select_n3A_420 : i32
        %ne3A_422 = arith.constant 0 : i32
        %ne3A_423 = arith.cmpi ne, %rem3A_421, %ne3A_422 : i32
        %lt3A_424 = arith.constant 0 : i32
        %lt3A_425 = arith.cmpi slt, %rem3A_421, %lt3A_424 : i32
        %lt3A_426 = arith.constant 0 : i32
        %lt3A_427 = arith.cmpi slt, %select_n3A_420, %lt3A_426 : i32
        %ne3A_428 = arith.xori %lt3A_425, %lt3A_427 : i1
        %and3A_429 = arith.andi %ne3A_428, %ne3A_423 : i1
        %add3A_430 = arith.addi %rem3A_421, %select_n3A_420 : i32
        %select_n3A_431 = arith.select %and3A_429, %add3A_430, %rem3A_421 : i32
        %mul3A_432 = arith.constant 2048 : i32
        %mul3A_433 = arith.muli %select_n3A_415, %mul3A_432 : i32
        %add3A_434 = arith.addi %mul3A_433, %mul3A_2 : i32
        %mul3A_435 = arith.constant 8 : i32
        %mul3A_436 = arith.muli %select_n3A_431, %mul3A_435 : i32
        %add3A_437 = arith.addi %add3A_434, %mul3A_436 : i32
        %dma_start3A_438 = arith.constant 0 : i32
        %dma_start3A_439 = tpu.memref_slice %arg2[%add3A_437, %dma_start3A_438] : memref<8192x1024xf32, #tpu.memory_space<hbm>> -> memref<8x1024xf32, #tpu.memory_space<hbm>>
        %dma_start3A_440 = arith.constant 0 : i32
        %dma_start3A_441 = tpu.memref_slice %arg2[%add3A_437, %dma_start3A_440] : memref<8192x1024xf32, #tpu.memory_space<hbm>> -> memref<8x1024xf32, #tpu.memory_space<hbm>>
        tpu.enqueue_dma source(%dma_start3A_441 : memref<8x1024xf32, #tpu.memory_space<hbm>>) target(%arg7 : memref<8x1024xf32, #tpu.memory_space<vmem>>) target_semaphore(%arg12 : memref<!tpu.dma_semaphore, #tpu.memory_space<semaphore_mem>>)
      } else {
      }
      %dma_wait3A_309 = arith.constant 0 : i32
      %dma_wait3A_310 = arith.constant 0 : i32
      %dma_wait3A_311 = tpu.memref_slice %arg2[%dma_wait3A_309, %dma_wait3A_310] : memref<8192x1024xf32, #tpu.memory_space<hbm>> -> memref<8x1024xf32, #tpu.memory_space<hbm>>
      %dma_wait3A_312 = arith.constant 0 : i32
      %dma_wait3A_313 = arith.constant 0 : i32
      %dma_wait3A_314 = tpu.memref_slice %arg2[%dma_wait3A_312, %dma_wait3A_313] : memref<8192x1024xf32, #tpu.memory_space<hbm>> -> memref<8x1024xf32, #tpu.memory_space<hbm>>
      tpu.wait_dma2 semaphore(%arg14 : memref<!tpu.dma_semaphore, #tpu.memory_space<semaphore_mem>>) src(%dma_wait3A_314 : memref<8x1024xf32, #tpu.memory_space<hbm>>) dst(%arg9 : memref<8x1024xf32, #tpu.memory_space<vmem>>)
      %jit3A_315 = arith.constant 8 : i32
      %eq3A_316 = arith.constant 0 : i32
      %eq3A_317 = arith.cmpi eq, %jit3A_315, %eq3A_316 : i32
      %jit3A_318 = arith.constant 1 : i32
      %select_n3A_319 = arith.select %eq3A_317, %jit3A_318, %jit3A_315 : i32
      %rem3A_320 = arith.remsi %add3A_303, %select_n3A_319 : i32
      %ne3A_321 = arith.constant 0 : i32
      %ne3A_322 = arith.cmpi ne, %rem3A_320, %ne3A_321 : i32
      %lt3A_323 = arith.constant 0 : i32
      %lt3A_324 = arith.cmpi slt, %rem3A_320, %lt3A_323 : i32
      %lt3A_325 = arith.constant 0 : i32
      %lt3A_326 = arith.cmpi slt, %select_n3A_319, %lt3A_325 : i32
      %ne3A_327 = arith.xori %lt3A_324, %lt3A_326 : i1
      %and3A_328 = arith.andi %ne3A_327, %ne3A_322 : i1
      %add3A_329 = arith.addi %rem3A_320, %select_n3A_319 : i32
      %select_n3A_330 = arith.select %and3A_328, %add3A_329, %rem3A_320 : i32
      %mul3A_331 = arith.constant 8 : i32
      %mul3A_332 = arith.muli %select_n3A_330, %mul3A_331 : i32
      %parallel_loop3A_333 = arith.constant 0 : i32
      %parallel_loop3A_334 = arith.constant 512 : i32
      %parallel_loop3A_335 = arith.constant 1 : i32
      scf.for %parallel_loop3A_386 = %parallel_loop3A_333 to %parallel_loop3A_334 step %parallel_loop3A_335  : i32 {
        %parallel_loop3A_387 = arith.constant 64 : i32
        %parallel_loop3A_388 = arith.divsi %parallel_loop3A_386, %parallel_loop3A_387 : i32
        %parallel_loop3A_389 = arith.constant 0 : i32
        %parallel_loop3A_390 = arith.cmpi sgt, %parallel_loop3A_386, %parallel_loop3A_389 : i32
        %parallel_loop3A_391 = arith.extui %parallel_loop3A_390 : i1 to i32
        %parallel_loop3A_392 = arith.constant 0 : i32
        %parallel_loop3A_393 = arith.cmpi slt, %parallel_loop3A_386, %parallel_loop3A_392 : i32
        %parallel_loop3A_394 = arith.extui %parallel_loop3A_393 : i1 to i32
        %parallel_loop3A_395 = arith.subi %parallel_loop3A_391, %parallel_loop3A_394 : i32
        %parallel_loop3A_396 = arith.constant 0 : i32
        %parallel_loop3A_397 = arith.cmpi sgt, %parallel_loop3A_387, %parallel_loop3A_396 : i32
        %parallel_loop3A_398 = arith.extui %parallel_loop3A_397 : i1 to i32
        %parallel_loop3A_399 = arith.constant 0 : i32
        %parallel_loop3A_400 = arith.cmpi slt, %parallel_loop3A_387, %parallel_loop3A_399 : i32
        %parallel_loop3A_401 = arith.extui %parallel_loop3A_400 : i1 to i32
        %parallel_loop3A_402 = arith.subi %parallel_loop3A_398, %parallel_loop3A_401 : i32
        %parallel_loop3A_403 = arith.cmpi ne, %parallel_loop3A_395, %parallel_loop3A_402 : i32
        %parallel_loop3A_404 = arith.remsi %parallel_loop3A_386, %parallel_loop3A_387 : i32
        %parallel_loop3A_405 = arith.constant 0 : i32
        %parallel_loop3A_406 = arith.cmpi ne, %parallel_loop3A_404, %parallel_loop3A_405 : i32
        %parallel_loop3A_407 = arith.andi %parallel_loop3A_403, %parallel_loop3A_406 : i1
        %parallel_loop3A_408 = arith.constant 1 : i32
        %parallel_loop3A_409 = arith.subi %parallel_loop3A_388, %parallel_loop3A_408 : i32
        %parallel_loop3A_410 = arith.select %parallel_loop3A_407, %parallel_loop3A_409, %parallel_loop3A_388 : i32
        %parallel_loop3A_411 = arith.constant 64 : i32
        %parallel_loop3A_412 = arith.constant 0 : i32
        %parallel_loop3A_413 = arith.cmpi eq, %parallel_loop3A_411, %parallel_loop3A_412 : i32
        %parallel_loop3A_414 = arith.constant 1 : i32
        %parallel_loop3A_415 = arith.select %parallel_loop3A_413, %parallel_loop3A_414, %parallel_loop3A_411 : i32
        %parallel_loop3A_416 = arith.remsi %parallel_loop3A_386, %parallel_loop3A_415 : i32
        %parallel_loop3A_417 = arith.constant 0 : i32
        %parallel_loop3A_418 = arith.cmpi ne, %parallel_loop3A_416, %parallel_loop3A_417 : i32
        %parallel_loop3A_419 = arith.constant 0 : i32
        %parallel_loop3A_420 = arith.cmpi slt, %parallel_loop3A_416, %parallel_loop3A_419 : i32
        %parallel_loop3A_421 = arith.constant 0 : i32
        %parallel_loop3A_422 = arith.cmpi slt, %parallel_loop3A_415, %parallel_loop3A_421 : i32
        %parallel_loop3A_423 = arith.xori %parallel_loop3A_420, %parallel_loop3A_422 : i1
        %parallel_loop3A_424 = arith.andi %parallel_loop3A_423, %parallel_loop3A_418 : i1
        %parallel_loop3A_425 = arith.addi %parallel_loop3A_416, %parallel_loop3A_415 : i32
        %parallel_loop3A_426 = arith.select %parallel_loop3A_424, %parallel_loop3A_425, %parallel_loop3A_416 : i32
        %parallel_loop3A_427 = arith.constant 16 : i32
        %parallel_loop3A_428 = arith.muli %parallel_loop3A_426, %parallel_loop3A_427 : i32
        %parallel_loop3A_429 = arith.addi %mul3A_332, %parallel_loop3A_410 : i32
        %parallel_loop3A_430 = arith.index_cast %parallel_loop3A_429 : i32 to index
        %parallel_loop3A_431 = arith.index_cast %parallel_loop3A_428 : i32 to index
        %parallel_loop3A_432 = tpu.vector_load %arg5[%parallel_loop3A_430, %parallel_loop3A_431] {strides = array<i32>} : memref<64x1024xf32, #tpu.memory_space<vmem>>, vector<1x16xf32>,
        %parallel_loop3A_433 = vector.shape_cast %parallel_loop3A_432 : vector<1x16xf32> to vector<16xf32>
        %parallel_loop3A_434 = arith.index_cast %parallel_loop3A_410 : i32 to index
        %parallel_loop3A_435 = arith.index_cast %parallel_loop3A_428 : i32 to index
        %parallel_loop3A_436 = tpu.vector_load %arg9[%parallel_loop3A_434, %parallel_loop3A_435] {strides = array<i32>} : memref<8x1024xf32, #tpu.memory_space<vmem>>, vector<1x16xf32>,
        %parallel_loop3A_437 = vector.shape_cast %parallel_loop3A_436 : vector<1x16xf32> to vector<16xf32>
        %parallel_loop3A_438 = vector.shape_cast %parallel_loop3A_433 : vector<16xf32> to vector<1x16xf32>
        tpu.vector_store %arg9[%parallel_loop3A_434, %parallel_loop3A_435], %parallel_loop3A_438 {add = true, strides = array<i32>} : memref<8x1024xf32, #tpu.memory_space<vmem>>, vector<1x16xf32>,
      } {sc.loop_unroll_factor = 8 : i64, sc.parallel_access}
      %jit3A_336 = arith.constant 8 : i32
      %div3A_337 = arith.divsi %add3A_303, %jit3A_336 : i32
      %sign3A_338 = arith.constant 0 : i32
      %sign3A_339 = arith.cmpi sgt, %add3A_303, %sign3A_338 : i32
      %sign3A_340 = arith.extui %sign3A_339 : i1 to i32
      %sign3A_341 = arith.constant 0 : i32
      %sign3A_342 = arith.cmpi slt, %add3A_303, %sign3A_341 : i32
      %sign3A_343 = arith.extui %sign3A_342 : i1 to i32
      %sign3A_344 = arith.subi %sign3A_340, %sign3A_343 : i32
      %sign3A_345 = arith.constant 0 : i32
      %sign3A_346 = arith.cmpi sgt, %jit3A_336, %sign3A_345 : i32
      %sign3A_347 = arith.extui %sign3A_346 : i1 to i32
      %sign3A_348 = arith.constant 0 : i32
      %sign3A_349 = arith.cmpi slt, %jit3A_336, %sign3A_348 : i32
      %sign3A_350 = arith.extui %sign3A_349 : i1 to i32
      %sign3A_351 = arith.subi %sign3A_347, %sign3A_350 : i32
      %ne3A_352 = arith.cmpi ne, %sign3A_344, %sign3A_351 : i32
      %rem3A_353 = arith.remsi %add3A_303, %jit3A_336 : i32
      %ne3A_354 = arith.constant 0 : i32
      %ne3A_355 = arith.cmpi ne, %rem3A_353, %ne3A_354 : i32
      %and3A_356 = arith.andi %ne3A_352, %ne3A_355 : i1
      %sub3A_357 = arith.constant 1 : i32
      %sub3A_358 = arith.subi %div3A_337, %sub3A_357 : i32
      %select_n3A_359 = arith.select %and3A_356, %sub3A_358, %div3A_337 : i32
      %jit3A_360 = arith.constant 8 : i32
      %eq3A_361 = arith.constant 0 : i32
      %eq3A_362 = arith.cmpi eq, %jit3A_360, %eq3A_361 : i32
      %jit3A_363 = arith.constant 1 : i32
      %select_n3A_364 = arith.select %eq3A_362, %jit3A_363, %jit3A_360 : i32
      %rem3A_365 = arith.remsi %add3A_303, %select_n3A_364 : i32
      %ne3A_366 = arith.constant 0 : i32
      %ne3A_367 = arith.cmpi ne, %rem3A_365, %ne3A_366 : i32
      %lt3A_368 = arith.constant 0 : i32
      %lt3A_369 = arith.cmpi slt, %rem3A_365, %lt3A_368 : i32
      %lt3A_370 = arith.constant 0 : i32
      %lt3A_371 = arith.cmpi slt, %select_n3A_364, %lt3A_370 : i32
      %ne3A_372 = arith.xori %lt3A_369, %lt3A_371 : i1
      %and3A_373 = arith.andi %ne3A_372, %ne3A_367 : i1
      %add3A_374 = arith.addi %rem3A_365, %select_n3A_364 : i32
      %select_n3A_375 = arith.select %and3A_373, %add3A_374, %rem3A_365 : i32
      %mul3A_376 = arith.constant 2048 : i32
      %mul3A_377 = arith.muli %select_n3A_359, %mul3A_376 : i32
      %add3A_378 = arith.addi %mul3A_377, %mul3A_2 : i32
      %mul3A_379 = arith.constant 8 : i32
      %mul3A_380 = arith.muli %select_n3A_375, %mul3A_379 : i32
      %add3A_381 = arith.addi %add3A_378, %mul3A_380 : i32
      %dma_start3A_382 = arith.constant 0 : i32
      %dma_start3A_383 = tpu.memref_slice %arg4[%add3A_381, %dma_start3A_382] : memref<8192x1024xf32, #tpu.memory_space<hbm>> -> memref<8x1024xf32, #tpu.memory_space<hbm>>
      %dma_start3A_384 = arith.constant 0 : i32
      %dma_start3A_385 = tpu.memref_slice %arg4[%add3A_381, %dma_start3A_384] : memref<8192x1024xf32, #tpu.memory_space<hbm>> -> memref<8x1024xf32, #tpu.memory_space<hbm>>
      tpu.enqueue_dma source(%arg9 : memref<8x1024xf32, #tpu.memory_space<vmem>>) target(%dma_start3A_385 : memref<8x1024xf32, #tpu.memory_space<hbm>>) target_semaphore(%arg18 : memref<!tpu.dma_semaphore, #tpu.memory_space<semaphore_mem>>)
    }
    %scan3A_29 = arith.constant 8 : i32
    %dma_wait3A_30 = arith.constant 0 : i32
    %dma_wait3A_31 = arith.constant 0 : i32
    %dma_wait3A_32 = tpu.memref_slice %arg4[%dma_wait3A_30, %dma_wait3A_31] : memref<8192x1024xf32, #tpu.memory_space<hbm>> -> memref<8x1024xf32, #tpu.memory_space<hbm>>
    %dma_wait3A_33 = arith.constant 0 : i32
    %dma_wait3A_34 = arith.constant 0 : i32
    %dma_wait3A_35 = tpu.memref_slice %arg4[%dma_wait3A_33, %dma_wait3A_34] : memref<8192x1024xf32, #tpu.memory_space<hbm>> -> memref<8x1024xf32, #tpu.memory_space<hbm>>
    tpu.wait_dma2 semaphore(%arg15 : memref<!tpu.dma_semaphore, #tpu.memory_space<semaphore_mem>>) src(%arg6 : memref<8x1024xf32, #tpu.memory_space<vmem>>) dst(%dma_wait3A_35 : memref<8x1024xf32, #tpu.memory_space<hbm>>)
    %dma_wait3A_36 = arith.constant 0 : i32
    %dma_wait3A_37 = arith.constant 0 : i32
    %dma_wait3A_38 = tpu.memref_slice %arg4[%dma_wait3A_36, %dma_wait3A_37] : memref<8192x1024xf32, #tpu.memory_space<hbm>> -> memref<8x1024xf32, #tpu.memory_space<hbm>>
    %dma_wait3A_39 = arith.constant 0 : i32
    %dma_wait3A_40 = arith.constant 0 : i32
    %dma_wait3A_41 = tpu.memref_slice %arg4[%dma_wait3A_39, %dma_wait3A_40] : memref<8192x1024xf32, #tpu.memory_space<hbm>> -> memref<8x1024xf32, #tpu.memory_space<hbm>>
    tpu.wait_dma2 semaphore(%arg16 : memref<!tpu.dma_semaphore, #tpu.memory_space<semaphore_mem>>) src(%arg7 : memref<8x1024xf32, #tpu.memory_space<vmem>>) dst(%dma_wait3A_41 : memref<8x1024xf32, #tpu.memory_space<hbm>>)
    %dma_wait3A_42 = arith.constant 0 : i32
    %dma_wait3A_43 = arith.constant 0 : i32
    %dma_wait3A_44 = tpu.memref_slice %arg4[%dma_wait3A_42, %dma_wait3A_43] : memref<8192x1024xf32, #tpu.memory_space<hbm>> -> memref<8x1024xf32, #tpu.memory_space<hbm>>
    %dma_wait3A_45 = arith.constant 0 : i32
    %dma_wait3A_46 = arith.constant 0 : i32
    %dma_wait3A_47 = tpu.memref_slice %arg4[%dma_wait3A_45, %dma_wait3A_46] : memref<8192x1024xf32, #tpu.memory_space<hbm>> -> memref<8x1024xf32, #tpu.memory_space<hbm>>
    tpu.wait_dma2 semaphore(%arg17 : memref<!tpu.dma_semaphore, #tpu.memory_space<semaphore_mem>>) src(%arg8 : memref<8x1024xf32, #tpu.memory_space<vmem>>) dst(%dma_wait3A_47 : memref<8x1024xf32, #tpu.memory_space<hbm>>)
    %dma_wait3A_48 = arith.constant 0 : i32
    %dma_wait3A_49 = arith.constant 0 : i32
    %dma_wait3A_50 = tpu.memref_slice %arg4[%dma_wait3A_48, %dma_wait3A_49] : memref<8192x1024xf32, #tpu.memory_space<hbm>> -> memref<8x1024xf32, #tpu.memory_space<hbm>>
    %dma_wait3A_51 = arith.constant 0 : i32
    %dma_wait3A_52 = arith.constant 0 : i32
    %dma_wait3A_53 = tpu.memref_slice %arg4[%dma_wait3A_51, %dma_wait3A_52] : memref<8192x1024xf32, #tpu.memory_space<hbm>> -> memref<8x1024xf32, #tpu.memory_space<hbm>>
    tpu.wait_dma2 semaphore(%arg18 : memref<!tpu.dma_semaphore, #tpu.memory_space<semaphore_mem>>) src(%arg9 : memref<8x1024xf32, #tpu.memory_space<vmem>>) dst(%dma_wait3A_53 : memref<8x1024xf32, #tpu.memory_space<hbm>>)
    return
  }
}

</mosaic_0001>

<sc_bundles>
// kernel: kernel.3.cloned.1.call-start
scs
__scs_entry_jumppad:
0x0: {  	(pc) =	sbr.rel $0x88, $3  }
0x1: {  	(tag) =	ssettag $0x0;
	lr =	simm.s32 $0x1  }
0x2: {  	[smem:$0x3F9F] =	sst lr;
	_ =	strace $0xD0000000  }
0x3: {  	_ = 	snop  }
0x4: {  	_ = 	snop  }
0x5: {  	_ = 	snop  }
0x6: {  	_ = 	snop  }
0x7: {  	_ = 	snop  }
__scs_overlays_trampoline_lowered:
0x8: {  	[smem:$0x3FAE] =	sst s0  }
0x9: {  	[smem:$0x3FAF] =	sst s1  }
0xa: {  	[smem:$0x3FB0] =	sst s2  }
0xb: {  	[smem:$0x3FB1] =	sst s3  }
0xc: {  	[smem:$0x3FB2] =	sst s4  }
0xd: {  	[smem:$0x3FB3] =	sst s5  }
0xe: {  	[smem:$0x3FB4] =	sst s6  }
0xf: {  	[smem:$0x3FB5] =	sst s7  }
0x10: {  	[smem:$0x3FB6] =	sst s8  }
0x11: {  	[smem:$0x3FB7] =	sst s9;
	s0 =	simm.s32 @!p0 $0x0  }
0x12: {  	s1 =	sld [smem:$0x3F9D];
	s0 =	simm.s32 @p0 $0x1  }
0x13: {  	[smem:$0x3FB8] =	sst s0;
	s0 =	simm.s32 @!p1 $0x0  }
0x14: {  	s2 =	sld [smem:$0x3F9C];
	s0 =	simm.s32 @p1 $0x1  }
0x15: {  	[smem:$0x3FB9] =	sst s0;
	s0 =	simm.s32 @!p2 $0x0  }
0x16: {  	s3 =	sld [smem:$0x3FDB];
	s0 =	simm.s32 @p2 $0x1  }
0x17: {  	s4 =	simm.s32 $0x1BF5;
	[smem:$0x3FBB] =	sst s0  }
0x18: {  	s0 =	sld [smem:$0x3F9E];
	_ =	swait.ge [sflag:s4], $0x0  }
0x19: {  	s7 =	sld [smem:$0x3F9F]  }
0x1a: {  	s8 =	sadd.s32 $0xFFFFE003, lr  }
0x1b: {  	s9 =	sadd.s32 $0xFFFFFEF7, lr;
	s5 =	simm.s32 $0xFFFFFFFF;
	p2 =	slt.u32 s8, $0xFFFFF086  }
0x1c: {  	p1 =	slt.u32 s9, $0xF7A;
	s5 =	simm.s32 @!p2 $0x0  }
0x1d: {  	s5 =	simm.s32 @p1 $0x1;
	p0 =	seq.s32 s7, s2  }
0x1e: {  	s7 =	smul.u32 @!p0 $0xF7A, s2;
	p2 =	seq.s32 @!p0 s5, $0x0  }
0x1f: {  	s9 =	smul.u32 $0xF7A, s1;
	s8 =	simm.s32 @!p0 $0x1BF5;
	p2 =	por !p2, p0  }
0x20: {  	[sflag:s8] =	ssyncset.s32 @!p0 $0xFFFFF086;
	s6 =	sadd.s32 @!p0 s3, s7;
	s7 =	simm.s32 @!p0 $0x108  }
0x21: {  	s3 =	sadd.s32 s3, s9;
	s6 =	sadd.s32 @!p0 $0x88, s6;
	s7 =	simm.s32 @p2 $0x1082  }
0x22: {  	[simem:s7], [sflag:s8] =	dma.local @!p0 [hbm:s6], $0xF7A  }
0x23: {  	s9 =	sor.u32 $0xD0000000, s2;
	s6 =	simm.s32 $0x108;
	_ =	swait.ge @!p0 [sflag:s8], $0x0  }
0x24: {  	s3 =	sadd.s32 $0x88, s3;
	s6 =	simm.s32 @!p1 $0x1082;
	[sflag:s4] =	ssyncset.s32 $0xFFFFF086  }
0x25: {  	[simem:s6], [sflag:s4] =	dma.local [hbm:s3], $0xF7A  }
0x26: {  	[smem:$0x3F9F] =	sst s1;
	(tag) =	ssettag s2;
	_ =	strace s9  }
0x27: {  	s1 =	sld [smem:$0x3FAF]  }
0x28: {  	s2 =	sld [smem:$0x3FB0]  }
0x29: {  	s4 =	sld [smem:$0x3FB2]  }
0x2a: {  	p0 =	seq.s32 s5, $0x0;
	s5 =	sld [smem:$0x3FB3]  }
0x2b: {  	s6 =	sld [smem:$0x3FB4]  }
0x2c: {  	s7 =	sld [smem:$0x3FB5]  }
0x2d: {  	s3 =	simm.s32 $0x108;
	s8 =	sld [smem:$0x3FB6]  }
0x2e: {  	s3 =	simm.s32 @!p0 $0x1082;
	s9 =	sld [smem:$0x3FB7]  }
0x2f: {  	lr =	sadd.s32 s0, s3;
	s0 =	sld [smem:$0x3FAE]  }
0x30: {  	s3 =	sld [smem:$0x3FB1]  }
0x31: {  	[smem:$0x3FBA] =	sst s10  }
0x32: {  	s10 =	sld [smem:$0x3FB8];
	_ =	sdelay $0x3  }
0x33: {  	p0 =	seq.s32 s10, $0x1;
	s10 =	sld [smem:$0x3FBA];
	_ =	sdelay $0x3  }
0x34: {  	[smem:$0x3FBA] =	sst s10  }
0x35: {  	s10 =	sld [smem:$0x3FB9];
	_ =	sdelay $0x3  }
0x36: {  	p1 =	seq.s32 s10, $0x1;
	s10 =	sld [smem:$0x3FBA];
	_ =	sdelay $0x3  }
0x37: {  	[smem:$0x3FBA] =	sst s10  }
0x38: {  	s10 =	sld [smem:$0x3FBB]  }
0x39: {  	_ = 	snop;
	(pc) =	sbr.ind lr, $3  }
0x3a: {  	_ = 	snop  }
0x3b: {  	_ = 	snop  }
0x3c: {  	p2 =	seq.s32 s10, $0x1;
	s10 =	sld [smem:$0x3FBA]  }
0x3d: {  	_ =	shalt  }
0x3e: {  	_ =	shalt  }
0x3f: {  	_ =	shalt  }
0x40: {  	_ =	shalt  }
0x41: {  	_ =	shalt  }
0x42: {  	_ =	shalt  }
0x43: {  	_ =	shalt  }
0x44: {  	_ =	shalt  }
0x45: {  	_ =	shalt  }
0x46: {  	_ =	shalt  }
0x47: {  	_ =	shalt  }
0x48: {  	_ =	shalt  }
0x49: {  	_ =	shalt  }
0x4a: {  	_ =	shalt  }
0x4b: {  	_ =	shalt  }
0x4c: {  	_ =	shalt  }
0x4d: {  	_ =	shalt  }
0x4e: {  	_ =	shalt  }
0x4f: {  	_ =	shalt  }
0x50: {  	_ =	shalt  }
0x51: {  	_ =	shalt  }
0x52: {  	_ =	shalt  }
0x53: {  	_ =	shalt  }
0x54: {  	_ =	shalt  }
0x55: {  	_ =	shalt  }
0x56: {  	_ =	shalt  }
0x57: {  	_ =	shalt  }
0x58: {  	_ =	shalt  }
0x59: {  	_ =	shalt  }
0x5a: {  	_ =	shalt  }
0x5b: {  	_ =	shalt  }
0x5c: {  	_ =	shalt  }
0x5d: {  	_ =	shalt  }
0x5e: {  	_ =	shalt  }
0x5f: {  	_ =	shalt  }
0x60: {  	_ =	shalt  }
0x61: {  	_ =	shalt  }
0x62: {  	_ =	shalt  }
0x63: {  	_ =	shalt  }
0x64: {  	_ =	shalt  }
0x65: {  	_ =	shalt  }
0x66: {  	_ =	shalt  }
0x67: {  	_ =	shalt  }
0x68: {  	_ =	shalt  }
0x69: {  	_ =	shalt  }
0x6a: {  	_ =	shalt  }
0x6b: {  	_ =	shalt  }
0x6c: {  	_ =	shalt  }
0x6d: {  	_ =	shalt  }
0x6e: {  	_ =	shalt  }
0x6f: {  	_ =	shalt  }
0x70: {  	_ =	shalt  }
0x71: {  	_ =	shalt  }
0x72: {  	_ =	shalt  }
0x73: {  	_ =	shalt  }
0x74: {  	_ =	shalt  }
0x75: {  	_ =	shalt  }
0x76: {  	_ =	shalt  }
0x77: {  	_ =	shalt  }
0x78: {  	_ =	shalt  }
0x79: {  	_ =	shalt  }
0x7a: {  	_ =	shalt  }
0x7b: {  	_ =	shalt  }
0x7c: {  	_ =	shalt  }
0x7d: {  	_ =	shalt  }
0x7e: {  	_ =	shalt  }
0x7f: {  	_ =	shalt  }
0x80: {  	_ =	shalt  }
0x81: {  	_ =	shalt  }
0x82: {  	_ =	shalt  }
0x83: {  	_ =	shalt  }
0x84: {  	_ =	shalt  }
0x85: {  	_ =	shalt  }
0x86: {  	_ =	shalt  }
0x87: {  	_ =	shalt  }
.Lfunc_end0:
.L_simem_size_0:
called_computation_lowered:
.L_overlay_start_0:
0x88: {  	s2 =	sld [smem:$0x3FD9]  }
0x89: {  	s3 =	sld [smem:$0x3FFE];
	_ =	sdelay $0x1  }
0x8a: {  	s1 =	srdreg.scid  }
0x8b: {  	s0 =	sand.u32 $0x1, s1  }
0x8c: {  	s18 =	sshll.u32 s0, $0xA;
	s2 =	sadd.s32 s3, s2  }
0x8d: {  	s2 =	sadd.s32 s2, s18  }
0x8e: {  	[smem:$0x3FC6] =	sst s2  }
0x8f: {  	_ = 	snop  }
0x90: {  	s2 =	sld [smem:$0x3FC9]  }
0x91: {  	s19 =	sld [smem:$0x3FC8]  }
0x92: {  	s4 =	sld [smem:$0x3FD0];
	(tm) =	ssettm $0x1  }
0x93: {  	s5 =	sld [smem:$0x3FFB];
	_ =	sdelay $0x3  }
0x94: {  	_ =	strace s5  }
0x95: {  	s5 =	sld [smem:$0x3FFC];
	_ =	sdelay $0x3  }
0x96: {  	_ =	strace s5  }
0x97: {  	s5 =	sld [smem:$0x3FFD];
	_ =	sdelay $0x3  }
0x98: {  	_ =	strace s5  }
0x99: {  	_ =	strace $0x8FFFFFFF  }
0x9a: {  	s20 =	sld [smem:$0x3FDB];
	_ =	sdelay $0x1  }
0x9b: {  	s6 =	simm.s32 $_scs_section_size  }
0x9c: {  	s7 =	simm.s32 $_size__tile_overlayer_lowered;
	s8 =	simm.s32 $_tile_overlayer_lowered  }
0x9d: {  	s23 =	simm.s32 $0x1BFF;
	s22 =	sshll.u32 s8, $0x1;
	s5 =	sadd.s32 s6, s20  }
0x9e: {  	s9 =	simm.s32 $0x0;
	s21 =	sshll.u32 s7, $0x1;
	s7 =	sadd.s32 s22, s5  }
0x9f: {  	[timem:s9], [sflag:s23] =	dma.local [hbm:s7], s21  }
0xa0: {  	_ =	swait.ge [sflag:s23], s21  }
0xa1: {  	s6 =	ssub.s32 $0x0, s21;
	[sflag:s23] =	ssyncset.done $0x0  }
0xa2: {  	[sflag:s23] =	ssyncadd.s32 s6;
	_ =	sdelay $0x1  }
0xa3: {  	s24 =	simm.s32 $0x1B8B  }
0xa4: {  	_ =	swait.ge [sflag:s24], $0x1  }
0xa5: {  	[sflag:s24] =	ssyncset.done $0x0  }
0xa6: {  	s25 =	simm.s32 $0x1B8E;
	[sflag:s24] =	ssyncadd.s32 $0xFFFFFFFF  }
0xa7: {  	s26 =	simm.s32 $execute0_lowered;
	[smem:$0x3FD2] =	sst s25  }
0xa8: {  	s6 =	sshll.u32 s26, $0x1;
	_ =	strace $0x80000046;
	[dreg:$0x1] =	wrdreg $0xFFFFFFFF  }
0xa9: {  	s28 =	simm.s32 $_size_execute0_lowered;
	s5 =	sadd.s32 s5, s6;
	[dreg:$0x0] =	wrdreg $0x0  }
0xaa: {  	s6 =	sshll.u32 s28, $0x1;
	[dreg:$0x2] =	wrdreg s5  }
0xab: {  	[dreg:$0x3] =	wrdreg s6  }
0xac: {  	[dreg:$0x4] =	wrdreg $0xC0  }
0xad: {  	_ =	task [dreg:s9], $0x5FFFF  }
0xae: {  	[dreg:$0x1] =	wrdreg $0xFFFFFFFF  }
0xaf: {  	[dreg:$0x0] =	wrdreg $0x60  }
0xb0: {  	[dreg:$0x2] =	wrdreg s2  }
0xb1: {  	[dreg:$0x3] =	wrdreg s19  }
0xb2: {  	[dreg:$0x4] =	wrdreg s4  }
0xb3: {  	[dreg:$0x5] =	wrdreg $0x9  }
0xb4: {  	_ =	task.clear_ibuf [dreg:s9], $0x6FFFF;
	_ =	strace $0x90000046  }
0xb5: {  	s29 =	simm.s32 $0x9;
	_ =	strace $0x80000048  }
0xb6: {  	_ =	swait.ge [sflag:s29], $0x1  }
0xb7: {  	[sflag:s29] =	ssyncadd.s32 $0xFFFFFFFF  }
0xb8: {  	_ =	strace $0x90000048  }
0xb9: {  	_ =	sfence  }
0xba: {  	s30 =	sld [smem:$0x0];
	_ =	sdelay $0x2  }
0xbb: {  	s31 =	sshll.u32 s1, $0xD;
	s1 =	sshrl.u32 s1, $0x2  }
0xbc: {  	s3 =	sand.u32 $0x4000, s31;
	s1 =	sadd.s32 s1, s30  }
0xbd: {  	s0 =	sor.u32 s3, s0;
	s1 =	sshll.u32 s1, $0x11  }
0xbe: {  	s0 =	sor.u32 s1, s0  }
0xbf: {  	s0 =	sadd.s32 $0x8F2B, s0  }
0xc0: {  	[sflag:s0] =	ssyncadd.remote.s32 $0x1  }
0xc1: {  	_ =	sfence.sel $0xFFFF  }
0xc2: {  	[dreg:$0x0] =	wrdreg $0xFFFFFFFF;
	(pc) =	sbr.abs _section_cstart, $3  }
0xc3: {  	[dreg:$0x1] =	wrdreg $0xFFFFFFFF  }
0xc4: {  	_ =	task.clear_ibuf [dreg:s9], $0x2FFFF;
	_ =	strace $0x9FFFFFFF  }
0xc5: {  	(tm) =	ssettm $0x7FFFFFFF  }
tec
execute0_lowered:
.L_overlay_start_1:
0x0: {  	(tag) =	ssettag $0x1  }
0x1: {  	s1 =	rddreg [dreg:$0x0];
	s0 =	srdreg.scid  }
0x2: {  	s2 =	rddreg [dreg:$0x1];
	s4 =	stileid.u32  }
0x3: {  	s3 =	rddreg [dreg:$0x2];
	s10 =	simm.s32 $0x10000;
	s11 =	simm.s32 $0x12000  }
0x4: {  	s13 =	simm.s32 $0x14000;
	s14 =	simm.s32 $0x2;
	s0 =	sand.u32 $0x1, s0  }
0x5: {  	s15 =	simm.s32 $0x16000;
	s5 =	sshll.u32 s4, $0x7;
	s6 =	sshll.u32 s0, $0x6  }
0x6: {  	s16 =	simm.s32 $0x3;
	s4 =	simm.s32 $0x0;
	s5 =	sor.u32 s6, s5  }
0x7: {  	[smem:$0x7FF] =	sst s4;
	s0 =	ssub.s32 $0x2, s0;
	s6 =	sshll.u32 s5, $0x7  }
0x8: {  	_ =	strace $0x80000047;
	s7 =	sshrl.u32 s0, $0x1;
	s2 =	sadd.s32 s2, s6  }
0x9: {  	s0 =	ssub.s32 s0, s7;
	s8 =	sadd.s32 s1, s6;
	[dreg:$0x5] =	wrdreg s2  }
0xa: {  	s17 =	simm.s32 $0x4;
	s0 =	smax.u32 s0, $0x1;
	[dreg:$0x4] =	wrdreg s8  }
0xb: {  	s18 =	simm.s32 $0x5;
	s31 =	sadd.s32 $0x400, s8;
	[dreg:$0x7] =	wrdreg s0  }
0xc: {  	s22 =	simm.s32 $0x9;
	s23 =	simm.s32 $0x0;
	[dreg:$0x6] =	wrdreg s31  }
.LBB2_1:
0xd: {  	s0 =	rddreg [dreg:$0x5]  }
0xe: {  	[tilespmem:s4], [sflag:$0x1] =	stream.linear.gather [hbm4b:s0+s4], $0x10000, $0x38;
	[tilespmem:$0x18000] =	vst v63  }
0xf: {  	s29 =	rddreg [dreg:$0x4]  }
0x10: {  	[tilespmem:s10], [sflag:$0x2] =	stream.linear.gather [hbm4b:s29+s4], $0x2000, $0x38;
	[tilespmem:$0x18000] =	vst v63  }
0x11: {  	s30 =	rddreg [dreg:$0x6];
	s31 =	simm.s32 $0x1  }
0x12: {  	[tilespmem:s11], [sflag:$0x3] =	stream.linear.gather [hbm4b:s30+s4], $0x2000, $0x38;
	[tilespmem:$0x18000] =	vst v63  }
0x13: {  	_ =	swait.ge [sflag:s31], $0x10000  }
0x14: {  	[sflag:s31] =	ssyncset.done $0x0  }
0x15: {  	s24 =	simm.s32 $0x0;
	[sflag:s31] =	ssyncadd.s32 $0xFFFF0000  }
.LBB2_2:
0x16: {  	s0 =	sshll.u32 s24, $0x5  }
0x17: {  	s19 =	sshll.u32 s24, $0xA;
	s28 =	sand.u32 $0x20, s0  }
0x18: {  	p0 =	seq.s32 s24, $0x0;
	s25 =	sand.u32 $0x1800, s19;
	s20 =	sor.u32 s28, s5  }
0x19: {  	s2 =	simm.s32 @!p0 $0x8;
	s0 =	sor.u32 s25, s20  }
0x1a: {  	_ =	swait.ge @!p0 [sflag:s2], $0x2000;
	s0 =	sshll.u32 s0, $0x7  }
0x1b: {  	s30 =	simm.s32 $0x0;
	[sflag:s2] =	ssyncset.done @!p0 $0x0;
	s29 =	sadd.s32 s0, s1  }
0x1c: {  	s21 =	simm.s32 $0x0;
	[sflag:s2] =	ssyncadd.s32 @!p0 $0xFFFFE000;
	s0 =	sadd.s32 $0x800, s29  }
0x1d: {  	[tilespmem:s13], [sflag:$0x4] =	stream.linear.gather [hbm4b:s0+s30], $0x2000, $0x38;
	[tilespmem:$0x18000] =	vst v63  }
0x1e: {  	s31 =	sshll.u32 s28, $0xA;
	s0 =	sand.u32 $0x380, s21;
	_ =	swait.ge [sflag:s14], $0x2000  }
0x1f: {  	s26 =	sand.u32 $0x1C00, s30;
	s6 =	sadd.s32 s0, s31;
	[sflag:s14] =	ssyncset.done $0x0  }
0x20: {  	s6 =	sadd.s32 s26, s6;
	[sflag:s14] =	ssyncadd.s32 $0xFFFFE000  }
0x21: {  	v1 =	vld [tilespmem:s6+$0x70]  }
0x22: {  	v4 =	vld [tilespmem:s6+$0x0]  }
0x23: {  	v5 =	vld [tilespmem:s6+$0x10]  }
0x24: {  	v6 =	vld [tilespmem:s6+$0x20]  }
0x25: {  	v0 =	vld [tilespmem:s6+$0x30]  }
0x26: {  	s0 =	sor.u32 s26, s0;
	v3 =	vld [tilespmem:s6+$0x40]  }
0x27: {  	s2 =	sor.u32 $0x10070, s0;
	v2 =	vld [tilespmem:s6+$0x50]  }
0x28: {  	[tilespmem:s2+$0x0] =	vst.add.f32.msk $0xffff, v1  }
0x29: {  	s7 =	sor.u32 $0x10000, s0;
	v1 =	vld [tilespmem:s6+$0x60]  }
0x2a: {  	s26 =	sshll.u32 s24, $0x2;
	s8 =	sor.u32 $0x10010, s0;
	s12 =	sor.u32 $0x10020, s0;
	[tilespmem:s7+$0x0] =	vst.add.f32.msk $0xffff, v4  }
0x2b: {  	s9 =	sor.u32 $0x10040, s0;
	s2 =	simm.s32 $0x0;
	s6 =	sor.u32 $0x10030, s0;
	[tilespmem:s8+$0x0] =	vst.add.f32.msk $0xffff, v5  }
0x2c: {  	s8 =	sor.u32 $0x10050, s0;
	s7 =	sor.u32 $0x10060, s0;
	[tilespmem:s12+$0x0] =	vst.add.f32.msk $0xffff, v6;
	s0 =	simm.s32 $0x40  }
.LBB2_3:
0x2d: {  	s12 =	sshrl.u32 s0, $0x2;
	s2 =	sadd.s32 $0x8, s2;
	[tilespmem:s6+$0x0] =	vst.add.f32.msk $0xffff, v0  }
0x2e: {  	s30 =	sadd.s32 $0x400, s30;
	s6 =	sand.u32 $0x380, s12;
	p1 =	slt.u32 s2, $0x1F8;
	[tilespmem:s9+$0x0] =	vst.add.f32.msk $0xffff, v3  }
0x2f: {  	s9 =	sand.u32 $0x1C00, s30;
	s12 =	sadd.s32 s6, s31;
	[tilespmem:s8+$0x0] =	vst.add.f32.msk $0xffff, v2  }
0x30: {  	s12 =	sadd.s32 s9, s12;
	[tilespmem:s7+$0x0] =	vst.add.f32.msk $0xffff, v1  }
0x31: {  	v1 =	vld [tilespmem:s12+$0x70]  }
0x32: {  	v4 =	vld [tilespmem:s12+$0x0]  }
0x33: {  	v5 =	vld [tilespmem:s12+$0x10]  }
0x34: {  	s7 =	sor.u32 s9, s6;
	v6 =	vld [tilespmem:s12+$0x20]  }
0x35: {  	s19 =	sor.u32 $0x10000, s7;
	s20 =	sor.u32 $0x10010, s7;
	s8 =	sor.u32 $0x10070, s7;
	v0 =	vld [tilespmem:s12+$0x30]  }
0x36: {  	s21 =	sor.u32 $0x10020, s7;
	s6 =	sor.u32 $0x10030, s7;
	s9 =	sor.u32 $0x10040, s7;
	[tilespmem:s8+$0x0] =	vst.add.f32.msk $0xffff, v1  }
0x37: {  	s8 =	sor.u32 $0x10050, s7;
	s7 =	sor.u32 $0x10060, s7;
	v3 =	vld [tilespmem:s12+$0x40]  }
.Ltmp0:
0x38: {  	v2 =	vld [tilespmem:s12+$0x50];
	(pc) =	sbr.rel @p1 .LBB2_3-.Ltmp0, $4  }
0x39: {  	v1 =	vld [tilespmem:s12+$0x60]  }
0x3a: {  	[tilespmem:s19+$0x0] =	vst.add.f32.msk $0xffff, v4  }
0x3b: {  	[tilespmem:s20+$0x0] =	vst.add.f32.msk $0xffff, v5  }
0x3c: {  	s0 =	sadd.s32 $0x40, s0;
	[tilespmem:s21+$0x0] =	vst.add.f32.msk $0xffff, v6  }
0x3d: {  	[tilespmem:s6+$0x0] =	vst.add.f32.msk $0xffff, v0;
	s25 =	sor.u32 s5, s25  }
0x3e: {  	[tilespmem:s9+$0x0] =	vst.add.f32.msk $0xffff, v3;
	s0 =	sor.u32 s28, s25  }
0x3f: {  	[tilespmem:s8+$0x0] =	vst.add.f32.msk $0xffff, v2;
	s0 =	sshll.u32 s0, $0x7  }
0x40: {  	[tilespmem:s7+$0x0] =	vst.add.f32.msk $0xffff, v1;
	s0 =	sadd.s32 s3, s0  }
0x41: {  	[hbm4b:s0+s4] =	stream.linear.scatter [tilespmem:s10], [sflag:$0x6], $0x2000, $0x38;
	[tilespmem:$0x18000] =	vst v63  }
0x42: {  	s0 =	simm.s32 @!p0 $0x9  }
0x43: {  	_ =	swait.ge @!p0 [sflag:s0], $0x2000  }
0x44: {  	s12 =	sadd.s32 $0xC00, s29;
	s29 =	simm.s32 $0x0;
	[sflag:s0] =	ssyncset.done @!p0 $0x0  }
0x45: {  	s19 =	simm.s32 $0x0;
	s28 =	sor.u32 $0x8, s28;
	[sflag:s0] =	ssyncadd.s32 @!p0 $0xFFFFE000  }
0x46: {  	[tilespmem:s15], [sflag:$0x5] =	stream.linear.gather [hbm4b:s12+s29], $0x2000, $0x38;
	[tilespmem:$0x18000] =	vst v63  }
0x47: {  	s30 =	sshll.u32 s28, $0xA;
	s0 =	sand.u32 $0x380, s19;
	_ =	swait.ge [sflag:s16], $0x2000  }
0x48: {  	s2 =	sand.u32 $0x1C00, s29;
	s20 =	sadd.s32 s0, s30;
	[sflag:s16] =	ssyncset.done $0x0  }
0x49: {  	s6 =	sadd.s32 s2, s20;
	[sflag:s16] =	ssyncadd.s32 $0xFFFFE000  }
0x4a: {  	v1 =	vld [tilespmem:s6+$0x70]  }
0x4b: {  	v4 =	vld [tilespmem:s6+$0x0]  }
0x4c: {  	v5 =	vld [tilespmem:s6+$0x10]  }
0x4d: {  	v6 =	vld [tilespmem:s6+$0x20]  }
0x4e: {  	v0 =	vld [tilespmem:s6+$0x30]  }
0x4f: {  	s0 =	sor.u32 s2, s0;
	v3 =	vld [tilespmem:s6+$0x40]  }
0x50: {  	s2 =	sor.u32 $0x12070, s0;
	v2 =	vld [tilespmem:s6+$0x50]  }
0x51: {  	[tilespmem:s2+$0x0] =	vst.add.f32.msk $0xffff, v1  }
0x52: {  	s21 =	sor.u32 $0x12000, s0;
	v1 =	vld [tilespmem:s6+$0x60]  }
0x53: {  	s31 =	sor.u32 $0x12010, s0;
	s12 =	sor.u32 $0x12020, s0;
	[tilespmem:s21+$0x0] =	vst.add.f32.msk $0xffff, v4  }
0x54: {  	s9 =	sor.u32 $0x12040, s0;
	s8 =	sor.u32 $0x12050, s0;
	s7 =	sor.u32 $0x12060, s0;
	[tilespmem:s31+$0x0] =	vst.add.f32.msk $0xffff, v5  }
0x55: {  	s2 =	simm.s32 $0x0;
	s6 =	sor.u32 $0x12030, s0;
	[tilespmem:s12+$0x0] =	vst.add.f32.msk $0xffff, v6;
	s0 =	simm.s32 $0x40  }
.LBB2_5:
0x56: {  	s12 =	sshrl.u32 s0, $0x2;
	s2 =	sadd.s32 $0x8, s2;
	[tilespmem:s6+$0x0] =	vst.add.f32.msk $0xffff, v0  }
0x57: {  	s29 =	sadd.s32 $0x400, s29;
	s6 =	sand.u32 $0x380, s12;
	p0 =	slt.u32 s2, $0x1F8;
	[tilespmem:s9+$0x0] =	vst.add.f32.msk $0xffff, v3  }
0x58: {  	s9 =	sand.u32 $0x1C00, s29;
	s12 =	sadd.s32 s6, s30;
	[tilespmem:s8+$0x0] =	vst.add.f32.msk $0xffff, v2  }
0x59: {  	s12 =	sadd.s32 s9, s12;
	[tilespmem:s7+$0x0] =	vst.add.f32.msk $0xffff, v1  }
0x5a: {  	v1 =	vld [tilespmem:s12+$0x70]  }
0x5b: {  	v4 =	vld [tilespmem:s12+$0x0]  }
0x5c: {  	v5 =	vld [tilespmem:s12+$0x10]  }
0x5d: {  	s7 =	sor.u32 s9, s6;
	v6 =	vld [tilespmem:s12+$0x20]  }
0x5e: {  	s19 =	sor.u32 $0x12000, s7;
	s20 =	sor.u32 $0x12010, s7;
	s8 =	sor.u32 $0x12070, s7;
	v0 =	vld [tilespmem:s12+$0x30]  }
0x5f: {  	s21 =	sor.u32 $0x12020, s7;
	s6 =	sor.u32 $0x12030, s7;
	s9 =	sor.u32 $0x12040, s7;
	[tilespmem:s8+$0x0] =	vst.add.f32.msk $0xffff, v1  }
0x60: {  	s8 =	sor.u32 $0x12050, s7;
	s7 =	sor.u32 $0x12060, s7;
	v3 =	vld [tilespmem:s12+$0x40]  }
.Ltmp1:
0x61: {  	v2 =	vld [tilespmem:s12+$0x50];
	(pc) =	sbr.rel @p0 .LBB2_5-.Ltmp1, $4  }
0x62: {  	v1 =	vld [tilespmem:s12+$0x60]  }
0x63: {  	[tilespmem:s19+$0x0] =	vst.add.f32.msk $0xffff, v4  }
0x64: {  	[tilespmem:s20+$0x0] =	vst.add.f32.msk $0xffff, v5  }
0x65: {  	s0 =	sadd.s32 $0x40, s0;
	[tilespmem:s21+$0x0] =	vst.add.f32.msk $0xffff, v6  }
0x66: {  	[tilespmem:s6+$0x0] =	vst.add.f32.msk $0xffff, v0  }
0x67: {  	[tilespmem:s9+$0x0] =	vst.add.f32.msk $0xffff, v3;
	s0 =	sor.u32 s28, s25;
	s9 =	sor.u32 $0x2, s26  }
0x68: {  	[tilespmem:s8+$0x0] =	vst.add.f32.msk $0xffff, v2;
	s0 =	sshll.u32 s0, $0x7;
	p0 =	sgt.u32 s9, $0x1D  }
0x69: {  	[tilespmem:s7+$0x0] =	vst.add.f32.msk $0xffff, v1;
	s0 =	sadd.s32 s3, s0;
	s2 =	sadd.s32 @!p0 $0x4, s26  }
0x6a: {  	[hbm4b:s0+s4] =	stream.linear.scatter [tilespmem:s11], [sflag:$0x7], $0x2000, $0x38;
	[tilespmem:$0x18000] =	vst v63  }
0x6b: {  	s12 =	simm.s32 $0x0;
	s6 =	sshll.u32 @!p0 s2, $0x3;
	s2 =	sshll.u32 @!p0 s2, $0x8  }
0x6c: {  	s30 =	simm.s32 $0x0;
	s6 =	sand.u32 @!p0 $0x20, s6;
	s2 =	sand.u32 @!p0 $0x3800, s2  }
0x6d: {  	s7 =	simm.s32 @!p0 $0x6;
	s0 =	sshll.u32 s9, $0x3;
	s2 =	sor.u32 @!p0 s6, s2  }
0x6e: {  	_ =	swait.ge @!p0 [sflag:s7], $0x2000;
	s28 =	sand.u32 $0x30, s0;
	s2 =	sor.u32 @!p0 s5, s2  }
0x6f: {  	[sflag:s7] =	ssyncset.done @!p0 $0x0;
	s6 =	simm.s32 @!p0 $0x0;
	s2 =	sshll.u32 @!p0 s2, $0x7  }
0x70: {  	[sflag:s7] =	ssyncadd.s32 @!p0 $0xFFFFE000;
	s7 =	simm.s32 @!p0 $0x10000;
	s2 =	sadd.s32 @!p0 s1, s2  }
0x71: {  	[tilespmem:s7], [sflag:$0x2] =	stream.linear.gather @!p0 [hbm4b:s2+s6], $0x2000, $0x38;
	[tilespmem:$0x18000] =	vst v63  }
0x72: {  	s0 =	sand.u32 $0x380, s12;
	s29 =	sshll.u32 s28, $0xA;
	_ =	swait.ge [sflag:s17], $0x2000  }
0x73: {  	s19 =	sand.u32 $0x1C00, s30;
	s20 =	sadd.s32 s0, s29;
	[sflag:s17] =	ssyncset.done $0x0  }
0x74: {  	s6 =	sadd.s32 s19, s20;
	[sflag:s17] =	ssyncadd.s32 $0xFFFFE000  }
0x75: {  	v1 =	vld [tilespmem:s6+$0x70]  }
0x76: {  	v4 =	vld [tilespmem:s6+$0x0]  }
0x77: {  	v5 =	vld [tilespmem:s6+$0x10]  }
0x78: {  	v6 =	vld [tilespmem:s6+$0x20]  }
0x79: {  	v0 =	vld [tilespmem:s6+$0x30]  }
0x7a: {  	s0 =	sor.u32 s19, s0;
	v3 =	vld [tilespmem:s6+$0x40]  }
0x7b: {  	s2 =	sor.u32 $0x14070, s0;
	v2 =	vld [tilespmem:s6+$0x50]  }
0x7c: {  	[tilespmem:s2+$0x0] =	vst.add.f32.msk $0xffff, v1  }
0x7d: {  	s21 =	sor.u32 $0x14000, s0;
	v1 =	vld [tilespmem:s6+$0x60]  }
0x7e: {  	s31 =	sor.u32 $0x14010, s0;
	s12 =	sor.u32 $0x14020, s0;
	[tilespmem:s21+$0x0] =	vst.add.f32.msk $0xffff, v4  }
0x7f: {  	s9 =	sor.u32 $0x14040, s0;
	s8 =	sor.u32 $0x14050, s0;
	s7 =	sor.u32 $0x14060, s0;
	[tilespmem:s31+$0x0] =	vst.add.f32.msk $0xffff, v5  }
0x80: {  	s2 =	simm.s32 $0x0;
	s6 =	sor.u32 $0x14030, s0;
	[tilespmem:s12+$0x0] =	vst.add.f32.msk $0xffff, v6;
	s0 =	simm.s32 $0x40  }
.LBB2_7:
0x81: {  	s12 =	sshrl.u32 s0, $0x2;
	s2 =	sadd.s32 $0x8, s2;
	[tilespmem:s6+$0x0] =	vst.add.f32.msk $0xffff, v0  }
0x82: {  	s30 =	sadd.s32 $0x400, s30;
	s6 =	sand.u32 $0x380, s12;
	p0 =	slt.u32 s2, $0x1F8;
	[tilespmem:s9+$0x0] =	vst.add.f32.msk $0xffff, v3  }
0x83: {  	s9 =	sand.u32 $0x1C00, s30;
	s12 =	sadd.s32 s6, s29;
	[tilespmem:s8+$0x0] =	vst.add.f32.msk $0xffff, v2  }
0x84: {  	s12 =	sadd.s32 s9, s12;
	[tilespmem:s7+$0x0] =	vst.add.f32.msk $0xffff, v1  }
0x85: {  	v1 =	vld [tilespmem:s12+$0x70]  }
0x86: {  	v4 =	vld [tilespmem:s12+$0x0]  }
0x87: {  	v5 =	vld [tilespmem:s12+$0x10]  }
0x88: {  	s7 =	sor.u32 s9, s6;
	v6 =	vld [tilespmem:s12+$0x20]  }
0x89: {  	s19 =	sor.u32 $0x14000, s7;
	s20 =	sor.u32 $0x14010, s7;
	s8 =	sor.u32 $0x14070, s7;
	v0 =	vld [tilespmem:s12+$0x30]  }
0x8a: {  	s21 =	sor.u32 $0x14020, s7;
	s6 =	sor.u32 $0x14030, s7;
	s9 =	sor.u32 $0x14040, s7;
	[tilespmem:s8+$0x0] =	vst.add.f32.msk $0xffff, v1  }
0x8b: {  	s8 =	sor.u32 $0x14050, s7;
	s7 =	sor.u32 $0x14060, s7;
	v3 =	vld [tilespmem:s12+$0x40]  }
.Ltmp2:
0x8c: {  	v2 =	vld [tilespmem:s12+$0x50];
	(pc) =	sbr.rel @p0 .LBB2_7-.Ltmp2, $4  }
0x8d: {  	v1 =	vld [tilespmem:s12+$0x60]  }
0x8e: {  	[tilespmem:s19+$0x0] =	vst.add.f32.msk $0xffff, v4  }
0x8f: {  	[tilespmem:s20+$0x0] =	vst.add.f32.msk $0xffff, v5  }
0x90: {  	s0 =	sadd.s32 $0x40, s0;
	[tilespmem:s21+$0x0] =	vst.add.f32.msk $0xffff, v6  }
0x91: {  	[tilespmem:s6+$0x0] =	vst.add.f32.msk $0xffff, v0  }
0x92: {  	[tilespmem:s9+$0x0] =	vst.add.f32.msk $0xffff, v3;
	s0 =	sor.u32 s25, s28;
	s12 =	sor.u32 $0x3, s26  }
0x93: {  	[tilespmem:s8+$0x0] =	vst.add.f32.msk $0xffff, v2;
	s0 =	sshll.u32 s0, $0x7;
	p0 =	sgt.u32 s12, $0x1D  }
0x94: {  	[tilespmem:s7+$0x0] =	vst.add.f32.msk $0xffff, v1;
	s0 =	sadd.s32 s3, s0;
	s2 =	sadd.s32 @!p0 $0x5, s26  }
0x95: {  	[hbm4b:s0+s4] =	stream.linear.scatter [tilespmem:s13], [sflag:$0x8], $0x2000, $0x38;
	[tilespmem:$0x18000] =	vst v63  }
0x96: {  	s19 =	simm.s32 $0x0;
	s6 =	sshll.u32 @!p0 s2, $0x3;
	s2 =	sshll.u32 @!p0 s2, $0x8  }
0x97: {  	s29 =	simm.s32 $0x0;
	s6 =	sand.u32 @!p0 $0x28, s6;
	s2 =	sand.u32 @!p0 $0x3800, s2  }
0x98: {  	s7 =	simm.s32 @!p0 $0x7;
	s0 =	sshll.u32 s12, $0x3;
	s2 =	sor.u32 @!p0 s6, s2  }
0x99: {  	_ =	swait.ge @!p0 [sflag:s7], $0x2000;
	s26 =	sand.u32 $0x38, s0;
	s2 =	sor.u32 @!p0 s5, s2  }
0x9a: {  	[sflag:s7] =	ssyncset.done @!p0 $0x0;
	s6 =	simm.s32 @!p0 $0x0;
	s2 =	sshll.u32 @!p0 s2, $0x7  }
0x9b: {  	[sflag:s7] =	ssyncadd.s32 @!p0 $0xFFFFE000;
	s7 =	simm.s32 @!p0 $0x12000;
	s2 =	sadd.s32 @!p0 s1, s2  }
0x9c: {  	[tilespmem:s7], [sflag:$0x3] =	stream.linear.gather @!p0 [hbm4b:s2+s6], $0x2000, $0x38;
	[tilespmem:$0x18000] =	vst v63  }
0x9d: {  	s0 =	sand.u32 $0x380, s19;
	s28 =	sshll.u32 s26, $0xA;
	_ =	swait.ge [sflag:s18], $0x2000  }
0x9e: {  	s20 =	sand.u32 $0x1C00, s29;
	s21 =	sadd.s32 s0, s28;
	[sflag:s18] =	ssyncset.done $0x0  }
0x9f: {  	s6 =	sadd.s32 s20, s21;
	[sflag:s18] =	ssyncadd.s32 $0xFFFFE000  }
0xa0: {  	v1 =	vld [tilespmem:s6+$0x70]  }
0xa1: {  	v4 =	vld [tilespmem:s6+$0x0]  }
0xa2: {  	v5 =	vld [tilespmem:s6+$0x10]  }
0xa3: {  	v6 =	vld [tilespmem:s6+$0x20]  }
0xa4: {  	v0 =	vld [tilespmem:s6+$0x30]  }
0xa5: {  	s0 =	sor.u32 s20, s0;
	v3 =	vld [tilespmem:s6+$0x40]  }
0xa6: {  	s2 =	sor.u32 $0x16070, s0;
	v2 =	vld [tilespmem:s6+$0x50]  }
0xa7: {  	[tilespmem:s2+$0x0] =	vst.add.f32.msk $0xffff, v1  }
0xa8: {  	s30 =	sor.u32 $0x16000, s0;
	v1 =	vld [tilespmem:s6+$0x60]  }
0xa9: {  	s31 =	sor.u32 $0x16010, s0;
	s12 =	sor.u32 $0x16020, s0;
	[tilespmem:s30+$0x0] =	vst.add.f32.msk $0xffff, v4  }
0xaa: {  	s9 =	sor.u32 $0x16040, s0;
	s8 =	sor.u32 $0x16050, s0;
	s7 =	sor.u32 $0x16060, s0;
	[tilespmem:s31+$0x0] =	vst.add.f32.msk $0xffff, v5  }
0xab: {  	s2 =	simm.s32 $0x0;
	s6 =	sor.u32 $0x16030, s0;
	[tilespmem:s12+$0x0] =	vst.add.f32.msk $0xffff, v6;
	s0 =	simm.s32 $0x40  }
.LBB2_9:
0xac: {  	s12 =	sshrl.u32 s0, $0x2;
	s2 =	sadd.s32 $0x8, s2;
	[tilespmem:s6+$0x0] =	vst.add.f32.msk $0xffff, v0  }
0xad: {  	s29 =	sadd.s32 $0x400, s29;
	s6 =	sand.u32 $0x380, s12;
	p0 =	slt.u32 s2, $0x1F8;
	[tilespmem:s9+$0x0] =	vst.add.f32.msk $0xffff, v3  }
0xae: {  	s9 =	sand.u32 $0x1C00, s29;
	s12 =	sadd.s32 s6, s28;
	[tilespmem:s8+$0x0] =	vst.add.f32.msk $0xffff, v2  }
0xaf: {  	s12 =	sadd.s32 s9, s12;
	[tilespmem:s7+$0x0] =	vst.add.f32.msk $0xffff, v1  }
0xb0: {  	v1 =	vld [tilespmem:s12+$0x70]  }
0xb1: {  	v4 =	vld [tilespmem:s12+$0x0]  }
0xb2: {  	v5 =	vld [tilespmem:s12+$0x10]  }
0xb3: {  	s7 =	sor.u32 s9, s6;
	v6 =	vld [tilespmem:s12+$0x20]  }
0xb4: {  	s19 =	sor.u32 $0x16000, s7;
	s20 =	sor.u32 $0x16010, s7;
	s8 =	sor.u32 $0x16070, s7;
	v0 =	vld [tilespmem:s12+$0x30]  }
0xb5: {  	s21 =	sor.u32 $0x16020, s7;
	s6 =	sor.u32 $0x16030, s7;
	s9 =	sor.u32 $0x16040, s7;
	[tilespmem:s8+$0x0] =	vst.add.f32.msk $0xffff, v1  }
0xb6: {  	s8 =	sor.u32 $0x16050, s7;
	s7 =	sor.u32 $0x16060, s7;
	v3 =	vld [tilespmem:s12+$0x40]  }
.Ltmp3:
0xb7: {  	v2 =	vld [tilespmem:s12+$0x50];
	(pc) =	sbr.rel @p0 .LBB2_9-.Ltmp3, $4  }
0xb8: {  	v1 =	vld [tilespmem:s12+$0x60]  }
0xb9: {  	[tilespmem:s19+$0x0] =	vst.add.f32.msk $0xffff, v4  }
0xba: {  	[tilespmem:s20+$0x0] =	vst.add.f32.msk $0xffff, v5  }
0xbb: {  	s0 =	sadd.s32 $0x40, s0;
	[tilespmem:s21+$0x0] =	vst.add.f32.msk $0xffff, v6  }
0xbc: {  	s24 =	sadd.s32 $0x1, s24  }
0xbd: {  	p0 =	sne.s32 s24, $0x8  }
.Ltmp4:
0xbe: {  	[tilespmem:s6+$0x0] =	vst.add.f32.msk $0xffff, v0;
	(pc) =	sbr.rel @p0 .LBB2_2-.Ltmp4, $4  }
0xbf: {  	[tilespmem:s9+$0x0] =	vst.add.f32.msk $0xffff, v3;
	s0 =	sor.u32 s25, s26  }
0xc0: {  	[tilespmem:s8+$0x0] =	vst.add.f32.msk $0xffff, v2;
	s0 =	sshll.u32 s0, $0x7  }
0xc1: {  	[tilespmem:s7+$0x0] =	vst.add.f32.msk $0xffff, v1;
	s0 =	sadd.s32 s3, s0  }
0xc2: {  	[hbm4b:s0+s4] =	stream.linear.scatter [tilespmem:s15], [sflag:$0x9], $0x2000, $0x38;
	[tilespmem:$0x18000] =	vst v63  }
0xc3: {  	s0 =	simm.s32 $0x6  }
0xc4: {  	_ =	swait.ge [sflag:s0], $0x2000  }
0xc5: {  	[sflag:s0] =	ssyncset.done $0x0  }
0xc6: {  	s29 =	simm.s32 $0x7;
	[sflag:s0] =	ssyncadd.s32 $0xFFFFE000  }
0xc7: {  	_ =	swait.ge [sflag:s29], $0x2000  }
0xc8: {  	[sflag:s29] =	ssyncset.done $0x0  }
0xc9: {  	s30 =	simm.s32 $0x8;
	[sflag:s29] =	ssyncadd.s32 $0xFFFFE000  }
0xca: {  	_ =	swait.ge [sflag:s30], $0x2000  }
0xcb: {  	[sflag:s30] =	ssyncset.done $0x0  }
0xcc: {  	[sflag:s30] =	ssyncadd.s32 $0xFFFFE000  }
0xcd: {  	_ =	swait.ge [sflag:s22], $0x2000  }
0xce: {  	s23 =	sadd.s32 $0x1, s23;
	s31 =	rddreg [dreg:$0x7]  }
0xcf: {  	p0 =	sne.s32 s23, s31  }
.Ltmp5:
0xd0: {  	_ = 	snop;
	(pc) =	sbr.rel @p0 .LBB2_1-.Ltmp5, $3  }
0xd1: {  	_ =	sdelay $0x1  }
0xd2: {  	[sflag:s22] =	ssyncset.done $0x0  }
0xd3: {  	[sflag:s22] =	ssyncadd.s32 $0xFFFFE000  }
0xd4: {  	_ =	sfence.sel $0x180000  }
0xd5: {  	[bflag:$0x0] =	sbarrier.arrive $0xFFFF  }
0xd6: {  	_ =	strace $0x90000047  }
0xd7: {  	s0 =	stileid.u32;
	[bflag:$0x2] =	sbarrier.arrive $0xFFFF  }
0xd8: {  	p0 =	sne.s32 s0, $0x0;
	s0 =	rddreg [dreg:$0x3]  }
0xd9: {  	s0 =	sadd.s32 @!p0 $0x100000, s0  }
0xda: {  	[sflag:s0] =	ssyncadd.tile.s32 @!p0 $0x1;
	_ =	shalt  }
.Lfunc_end2:
_tile_overlayer_lowered:
.L_overlay_start_2:
0xdb: {  	(tag) =	ssettag $0x2  }
0xdc: {  	s0 =	rddreg [dreg:$0x0];
	s2 =	stileid.u32  }
0xdd: {  	s1 =	rddreg [dreg:$0x1];
	p0 =	sne.s32 s2, $0x0  }
0xde: {  	s3 =	rddreg [dreg:$0x2];
	[bflag:$0x3] =	sbarrier.arrive $0xFFFF;
	s2 =	simm.s32 @!p0 $0x1C0A  }
0xdf: {  	[timem:s3], [sflag:s2] =	dma.local @!p0 [hbm:s0], s1  }
0xe0: {  	s0 =	simm.s32 @!p0 $0xA  }
0xe1: {  	_ =	swait.ge @!p0 [sflag:s0], s1  }
0xe2: {  	s1 =	ssub.s32 @!p0 $0x0, s1;
	[sflag:s0] =	ssyncset.done @!p0 $0x0  }
0xe3: {  	[sflag:s0] =	ssyncadd.s32 @!p0 s1  }
0xe4: {  	[bflag:$0x3] =	sbarrier.arrive $0xFFFF  }
0xe5: {  	_ =	shalt  }

</sc_bundles>
